<compile_context>
chip_gen: v7x
topology: tpu7x:2x2x1
jax: 0.10.2.dev20260603
libtpu: 0.0.44.dev20260713+nightly
codegen_flags: <defaults>
</compile_context>

<pallas_src>
import functools

import jax
import jax.numpy as jnp
from jax import lax
from jax.experimental import pallas as pl
from jax.experimental.pallas import tpu as pltpu
from jax.experimental.pallas import tpu_sc as plsc

N = 10000
E = 320000
F_IN = 128
H = 128
C = 40

NC = 2
NS = 16
NW = NC * NS
EPW = E // NW
CH = 80
NCHUNK = EPW // CH
NPAD = 640 * NS
RPT = 640
ZR = 128

_MESH = plsc.VectorSubcoreMesh(core_axis_name="c", subcore_axis_name="s")


def _sc_degree(dst, zeros640):

    @functools.partial(
        pl.kernel,
        out_type=jax.ShapeDtypeStruct((NC, NPAD), jnp.float32),
        mesh=_MESH,
        scratch_types=[
            pltpu.VMEM((CH,), jnp.int32),
            pltpu.VMEM((CH,), jnp.float32),
            pltpu.VMEM((640,), jnp.float32),
            pltpu.VMEM_SHARED((NPAD,), jnp.float32),
        ],
    )
    def k(dst_hbm, z_hbm, out_hbm, dst_v, ones_v, buf_v, deg_sh):
        c = lax.axis_index("c")
        s = lax.axis_index("s")
        wid = s * NC + c
        one16 = jnp.ones((16,), jnp.float32)
        for j in range(CH // 16):
            ones_v[pl.ds(j * 16, 16)] = one16
        pltpu.sync_copy(z_hbm, buf_v)
        pltpu.sync_copy(buf_v, deg_sh.at[pl.ds(pl.multiple_of(s * 640, 128), 640)])
        plsc.subcore_barrier()

        def body(g, carry):
            base = pl.multiple_of(wid * EPW + g * CH, 8)
            pltpu.sync_copy(dst_hbm.at[pl.ds(base, CH)], dst_v)
            pltpu.sync_copy(ones_v, deg_sh.at[dst_v], add=True)
            return carry

        lax.fori_loop(0, NCHUNK, body, 0)
        plsc.subcore_barrier()
        off = pl.multiple_of(s * 640, 128)
        pltpu.sync_copy(deg_sh.at[pl.ds(off, 640)], buf_v)
        pltpu.sync_copy(buf_v, out_hbm.at[c, pl.ds(off, 640)])

    return k(dst, zeros640)


def _sc_agg(xw, src, dst, zrows):

    @functools.partial(
        pl.kernel,
        out_type=jax.ShapeDtypeStruct((NC, NPAD, H), jnp.float32),
        mesh=_MESH,
        scratch_types=[
            pltpu.VMEM((CH,), jnp.int32),
            pltpu.VMEM((CH,), jnp.int32),
            pltpu.VMEM((CH, H), jnp.float32),
            pltpu.VMEM((ZR, H), jnp.float32),
            pltpu.VMEM_SHARED((NPAD, H), jnp.float32),
            pltpu.SemaphoreType.DMA,
        ],
    )
    def k(xw_hbm, src_hbm, dst_hbm, z_hbm, out_hbm,
          src_v, dst_v, rows_v, buf_v, acc_sh, sem):
        c = lax.axis_index("c")
        s = lax.axis_index("s")
        wid = s * NC + c
        pltpu.sync_copy(z_hbm, buf_v)
        for j in range(RPT // ZR):
            off = pl.multiple_of(s * RPT + j * ZR, 128)
            pltpu.sync_copy(buf_v, acc_sh.at[pl.ds(off, ZR)])
        plsc.subcore_barrier()

        def body(g, carry):
            base = pl.multiple_of(wid * EPW + g * CH, 8)
            pltpu.sync_copy(src_hbm.at[pl.ds(base, CH)], src_v)
            pltpu.sync_copy(dst_hbm.at[pl.ds(base, CH)], dst_v)
            pltpu.async_copy(xw_hbm.at[src_v], rows_v, sem).wait()
            pltpu.sync_copy(rows_v, acc_sh.at[dst_v], add=True)
            return carry

        lax.fori_loop(0, NCHUNK, body, 0)
        plsc.subcore_barrier()
        for j in range(RPT // ZR):
            off = pl.multiple_of(s * RPT + j * ZR, 128)
            pltpu.sync_copy(acc_sh.at[pl.ds(off, ZR)], buf_v)
            pltpu.sync_copy(buf_v, out_hbm.at[c, pl.ds(off, ZR)])

    return k(xw, src, dst, zrows)


_RB = 1000
_GRID = N // _RB
_PREC = lax.Precision.HIGHEST


def _dis(d0, d1):
    return lax.rsqrt(d0 + d1 + 1.0)


def _mm_scale_body(x_ref, w_ref, d0_ref, d1_ref, o_ref):
    dis = _dis(d0_ref[...], d1_ref[...])
    o_ref[...] = jnp.dot(x_ref[...], w_ref[...], precision=_PREC,
                         preferred_element_type=jnp.float32) * dis


def _tc_mm_scale(x, W, d0, d1):
    return pl.pallas_call(
        _mm_scale_body,
        grid=(_GRID,),
        in_specs=[
            pl.BlockSpec((_RB, F_IN), lambda i: (i, 0)),
            pl.BlockSpec((F_IN, H), lambda i: (0, 0)),
            pl.BlockSpec((_RB, 1), lambda i: (i, 0)),
            pl.BlockSpec((_RB, 1), lambda i: (i, 0)),
        ],
        out_specs=pl.BlockSpec((_RB, H), lambda i: (i, 0)),
        out_shape=jax.ShapeDtypeStruct((N, H), jnp.float32),
    )(x, W, d0, d1)


def _mid_body(a0_ref, a1_ref, xws_ref, d0_ref, d1_ref, b_ref, w_ref, o_ref):
    dis = _dis(d0_ref[...], d1_ref[...])
    h = (a0_ref[...] + a1_ref[...] + xws_ref[...]) * dis + b_ref[...]
    h = jnp.maximum(h, 0.0)
    o_ref[...] = jnp.dot(h, w_ref[...], precision=_PREC,
                         preferred_element_type=jnp.float32) * dis


def _tc_mid(a0, a1, xws, d0, d1, b1, W2):
    return pl.pallas_call(
        _mid_body,
        grid=(_GRID,),
        in_specs=[
            pl.BlockSpec((_RB, H), lambda i: (i, 0)),
            pl.BlockSpec((_RB, H), lambda i: (i, 0)),
            pl.BlockSpec((_RB, H), lambda i: (i, 0)),
            pl.BlockSpec((_RB, 1), lambda i: (i, 0)),
            pl.BlockSpec((_RB, 1), lambda i: (i, 0)),
            pl.BlockSpec((1, H), lambda i: (0, 0)),
            pl.BlockSpec((H, H), lambda i: (0, 0)),
        ],
        out_specs=pl.BlockSpec((_RB, H), lambda i: (i, 0)),
        out_shape=jax.ShapeDtypeStruct((N, H), jnp.float32),
    )(a0, a1, xws, d0, d1, b1, W2)


def _head_body(a0_ref, a1_ref, xws_ref, d0_ref, d1_ref, b_ref, wc_ref, bc_ref,
               emb_ref, lp_ref):
    dis = _dis(d0_ref[...], d1_ref[...])
    emb = (a0_ref[...] + a1_ref[...] + xws_ref[...]) * dis + b_ref[...]
    emb = jnp.maximum(emb, 0.0)
    emb_ref[...] = emb
    logits = jnp.dot(emb, wc_ref[...], precision=_PREC,
                     preferred_element_type=jnp.float32) + bc_ref[...]
    m = jnp.max(logits, axis=1, keepdims=True)
    lse = jnp.log(jnp.sum(jnp.exp(logits - m), axis=1, keepdims=True)) + m
    lp_ref[...] = logits - lse


def _tc_head(a0, a1, xws, d0, d1, b2, Wc, bc):
    return pl.pallas_call(
        _head_body,
        grid=(_GRID,),
        in_specs=[
            pl.BlockSpec((_RB, H), lambda i: (i, 0)),
            pl.BlockSpec((_RB, H), lambda i: (i, 0)),
            pl.BlockSpec((_RB, H), lambda i: (i, 0)),
            pl.BlockSpec((_RB, 1), lambda i: (i, 0)),
            pl.BlockSpec((_RB, 1), lambda i: (i, 0)),
            pl.BlockSpec((1, H), lambda i: (0, 0)),
            pl.BlockSpec((H, C), lambda i: (0, 0)),
            pl.BlockSpec((1, C), lambda i: (0, 0)),
        ],
        out_specs=[
            pl.BlockSpec((_RB, H), lambda i: (i, 0)),
            pl.BlockSpec((_RB, C), lambda i: (i, 0)),
        ],
        out_shape=[
            jax.ShapeDtypeStruct((N, H), jnp.float32),
            jax.ShapeDtypeStruct((N, C), jnp.float32),
        ],
    )(a0, a1, xws, d0, d1, b2, Wc, bc)


def kernel(x, adj, W1, b1, W2, b2, Wc, bc):
    adj = adj.astype(jnp.int32)
    src = adj[0]
    dst = adj[1]
    z640 = jnp.zeros((640,), jnp.float32)
    zrows = jnp.zeros((ZR, H), jnp.float32)
    b1r = b1.reshape(1, H)
    b2r = b2.reshape(1, H)
    bcr = bc.reshape(1, C)

    degp = _sc_degree(dst, z640)
    d0 = degp[0, :N].reshape(N, 1)
    d1 = degp[1, :N].reshape(N, 1)

    xw1s = _tc_mm_scale(x, W1, d0, d1)
    accp1 = _sc_agg(xw1s, src, dst, zrows)
    xw2s = _tc_mid(accp1[0, :N], accp1[1, :N], xw1s, d0, d1, b1r, W2)
    accp2 = _sc_agg(xw2s, src, dst, zrows)
    emb, logp = _tc_head(accp2[0, :N], accp2[1, :N], xw2s, d0, d1, b2r, Wc, bcr)
    return (emb, logp)

# --- scband reference (transcript-rebuilt; emitter-appended) ---
"""Pipeline reference for scband-my-gcn2-27032524161266 (READ-ONLY COPY).

The authoritative reference and input builder live on the scoring server;
editing this copy changes nothing except your own understanding.
"""

import jax, jax.numpy as jnp
import numpy as np

N = 10000
E = 320000
F_IN = 128
H = 128
C = 40


def gcn_conv(x, edge_index, W, b):
    # Faithful GCNConv (PyG semantics): linear transform, add self-loops,
    # symmetric normalization D^-1/2 A D^-1/2, scatter-add aggregation, bias.
    num_nodes = x.shape[0]
    xw = x @ W
    src = edge_index[0]
    dst = edge_index[1]
    loops = jnp.arange(num_nodes, dtype=src.dtype)
    src = jnp.concatenate([src, loops])
    dst = jnp.concatenate([dst, loops])
    deg = jnp.zeros((num_nodes,), xw.dtype).at[dst].add(1.0)
    deg_inv_sqrt = jnp.where(deg > 0, jax.lax.rsqrt(jnp.maximum(deg, 1e-12)), 0.0)
    norm = deg_inv_sqrt[src] * deg_inv_sqrt[dst]
    msg = xw[src] * norm[:, None]
    out = jax.ops.segment_sum(msg, dst, num_segments=num_nodes)
    return out + b


def setup_inputs(seed: int = 0) -> dict:
    key = jax.random.key(seed)
    ks = jax.random.split(key, 9)
    x = jax.random.normal(ks[0], (N, F_IN), dtype=jnp.float32)
    adj = jax.random.randint(ks[1], (2, E), 0, N).astype(jnp.int64)
    W1 = jax.random.normal(ks[2], (F_IN, H), dtype=jnp.float32) * (1.0 / np.sqrt(F_IN))
    b1 = jnp.zeros((H,), dtype=jnp.float32)
    W2 = jax.random.normal(ks[3], (H, H), dtype=jnp.float32) * (1.0 / np.sqrt(H))
    b2 = jnp.zeros((H,), dtype=jnp.float32)
    Wc = jax.random.normal(ks[4], (H, C), dtype=jnp.float32) * (1.0 / np.sqrt(H))
    bc = jnp.zeros((C,), dtype=jnp.float32)
    return {"x": x, "adj": adj, "W1": W1, "b1": b1, "W2": W2, "b2": b2, "Wc": Wc, "bc": bc}


def reference(x, adj, W1, b1, W2, b2, Wc, bc):
    h = jax.nn.relu(gcn_conv(x, adj, W1, b1))
    # F.dropout with training=False is identity (eval mode)
    embedding = jax.nn.relu(gcn_conv(h, adj, W2, b2))
    out = embedding @ Wc + bc
    return (embedding, jax.nn.log_softmax(out, axis=1))

if __name__ == "__main__":
    import jax
    _d = setup_inputs()
    print(jax.jit(kernel)(*tuple(_d.values())))

</pallas_src>

<mosaic_0001>
#map = affine_map<(d0, d1) -> (0, 0)>
#map1 = affine_map<(d0, d1) -> (0)>
#map2 = affine_map<(d0, d1) -> (0, 0, 0)>
module attributes {stable_mosaic.version = 14 : i64} {
  func.func @k(%arg0: i32, %arg1: i32, %arg2: memref<10000x128xf32, #tpu.memory_space<hbm>>, %arg3: memref<320000xi32, #tpu.memory_space<hbm>>, %arg4: memref<320000xi32, #tpu.memory_space<hbm>>, %arg5: memref<128x128xf32, #tpu.memory_space<hbm>>, %arg6: memref<2x10240x128xf32, #tpu.memory_space<hbm>>, %arg7: memref<80xi32, #tpu.memory_space<vmem>>, %arg8: memref<80xi32, #tpu.memory_space<vmem>>, %arg9: memref<80x128xf32, #tpu.memory_space<vmem>>, %arg10: memref<128x128xf32, #tpu.memory_space<vmem>>, %arg11: memref<10240x128xf32, #tpu.memory_space<vmem_shared>>, %arg12: memref<!tpu.dma_semaphore, #tpu.memory_space<semaphore_mem>>) attributes {dimension_semantics = [#tpu.dimension_semantics<core_parallel>, #tpu.dimension_semantics<subcore_parallel>], iteration_bounds = array<i64: 2, 16>, scalar_prefetch = 0 : i64, scratch_operands = 6 : i64, tpu.core_type = #tpu.core_type<sc_vector_subcore>, window_params = [{transform_indices = #map}, {transform_indices = #map1}, {transform_indices = #map1}, {transform_indices = #map}, {transform_indices = #map2}]} {
    %mul3A = arith.constant 2 : i32
    %mul3A_0 = arith.muli %arg1, %mul3A : i32
    %add3A = arith.addi %mul3A_0, %arg0 : i32
    "tpu.region"() ({
      %run_scoped3A = tpu.sem_alloc : memref<!tpu.dma_semaphore, #tpu.memory_space<semaphore_mem>>
      tpu.enqueue_dma source(%arg5 : memref<128x128xf32, #tpu.memory_space<hbm>>) target(%arg10 : memref<128x128xf32, #tpu.memory_space<vmem>>) target_semaphore(%run_scoped3A : memref<!tpu.dma_semaphore, #tpu.memory_space<semaphore_mem>>)
      tpu.wait_dma2 semaphore(%run_scoped3A : memref<!tpu.dma_semaphore, #tpu.memory_space<semaphore_mem>>) src(%arg5 : memref<128x128xf32, #tpu.memory_space<hbm>>) dst(%arg10 : memref<128x128xf32, #tpu.memory_space<vmem>>)
      tpu.yield
    }) : () -> ()
    %mul3A_1 = arith.constant 640 : i32
    %mul3A_2 = arith.muli %arg1, %mul3A_1 : i32
    %add3A_3 = arith.constant 0 : i32
    %add3A_4 = arith.addi %mul3A_2, %add3A_3 : i32
    %multiple_of3A = tpu.assume_multiple %add3A_4, 128 : i32
    "tpu.region"() ({
      %run_scoped3A = tpu.sem_alloc : memref<!tpu.dma_semaphore, #tpu.memory_space<semaphore_mem>>
      %dma_start3A = arith.constant 0 : i32
      %dma_start3A_56 = tpu.memref_slice %arg11[%multiple_of3A, %dma_start3A] : memref<10240x128xf32, #tpu.memory_space<vmem_shared>> -> memref<128x128xf32, #tpu.memory_space<vmem_shared>>
      %dma_start3A_57 = arith.constant 0 : i32
      %dma_start3A_58 = tpu.memref_slice %arg11[%multiple_of3A, %dma_start3A_57] : memref<10240x128xf32, #tpu.memory_space<vmem_shared>> -> memref<128x128xf32, #tpu.memory_space<vmem_shared>>
      tpu.enqueue_dma source(%arg10 : memref<128x128xf32, #tpu.memory_space<vmem>>) target(%dma_start3A_58 : memref<128x128xf32, #tpu.memory_space<vmem_shared>>) target_semaphore(%run_scoped3A : memref<!tpu.dma_semaphore, #tpu.memory_space<semaphore_mem>>)
      %dma_wait3A = arith.constant 0 : i32
      %dma_wait3A_59 = tpu.memref_slice %arg11[%multiple_of3A, %dma_wait3A] : memref<10240x128xf32, #tpu.memory_space<vmem_shared>> -> memref<128x128xf32, #tpu.memory_space<vmem_shared>>
      %dma_wait3A_60 = arith.constant 0 : i32
      %dma_wait3A_61 = tpu.memref_slice %arg11[%multiple_of3A, %dma_wait3A_60] : memref<10240x128xf32, #tpu.memory_space<vmem_shared>> -> memref<128x128xf32, #tpu.memory_space<vmem_shared>>
      tpu.wait_dma2 semaphore(%run_scoped3A : memref<!tpu.dma_semaphore, #tpu.memory_space<semaphore_mem>>) src(%arg10 : memref<128x128xf32, #tpu.memory_space<vmem>>) dst(%dma_wait3A_61 : memref<128x128xf32, #tpu.memory_space<vmem_shared>>)
      tpu.yield
    }) : () -> ()
    %mul3A_5 = arith.constant 640 : i32
    %mul3A_6 = arith.muli %arg1, %mul3A_5 : i32
    %add3A_7 = arith.constant 128 : i32
    %add3A_8 = arith.addi %mul3A_6, %add3A_7 : i32
    %multiple_of3A_9 = tpu.assume_multiple %add3A_8, 128 : i32
    "tpu.region"() ({
      %run_scoped3A = tpu.sem_alloc : memref<!tpu.dma_semaphore, #tpu.memory_space<semaphore_mem>>
      %dma_start3A = arith.constant 0 : i32
      %dma_start3A_56 = tpu.memref_slice %arg11[%multiple_of3A_9, %dma_start3A] : memref<10240x128xf32, #tpu.memory_space<vmem_shared>> -> memref<128x128xf32, #tpu.memory_space<vmem_shared>>
      %dma_start3A_57 = arith.constant 0 : i32
      %dma_start3A_58 = tpu.memref_slice %arg11[%multiple_of3A_9, %dma_start3A_57] : memref<10240x128xf32, #tpu.memory_space<vmem_shared>> -> memref<128x128xf32, #tpu.memory_space<vmem_shared>>
      tpu.enqueue_dma source(%arg10 : memref<128x128xf32, #tpu.memory_space<vmem>>) target(%dma_start3A_58 : memref<128x128xf32, #tpu.memory_space<vmem_shared>>) target_semaphore(%run_scoped3A : memref<!tpu.dma_semaphore, #tpu.memory_space<semaphore_mem>>)
      %dma_wait3A = arith.constant 0 : i32
      %dma_wait3A_59 = tpu.memref_slice %arg11[%multiple_of3A_9, %dma_wait3A] : memref<10240x128xf32, #tpu.memory_space<vmem_shared>> -> memref<128x128xf32, #tpu.memory_space<vmem_shared>>
      %dma_wait3A_60 = arith.constant 0 : i32
      %dma_wait3A_61 = tpu.memref_slice %arg11[%multiple_of3A_9, %dma_wait3A_60] : memref<10240x128xf32, #tpu.memory_space<vmem_shared>> -> memref<128x128xf32, #tpu.memory_space<vmem_shared>>
      tpu.wait_dma2 semaphore(%run_scoped3A : memref<!tpu.dma_semaphore, #tpu.memory_space<semaphore_mem>>) src(%arg10 : memref<128x128xf32, #tpu.memory_space<vmem>>) dst(%dma_wait3A_61 : memref<128x128xf32, #tpu.memory_space<vmem_shared>>)
      tpu.yield
    }) : () -> ()
    %mul3A_10 = arith.constant 640 : i32
    %mul3A_11 = arith.muli %arg1, %mul3A_10 : i32
    %add3A_12 = arith.constant 256 : i32
    %add3A_13 = arith.addi %mul3A_11, %add3A_12 : i32
    %multiple_of3A_14 = tpu.assume_multiple %add3A_13, 128 : i32
    "tpu.region"() ({
      %run_scoped3A = tpu.sem_alloc : memref<!tpu.dma_semaphore, #tpu.memory_space<semaphore_mem>>
      %dma_start3A = arith.constant 0 : i32
      %dma_start3A_56 = tpu.memref_slice %arg11[%multiple_of3A_14, %dma_start3A] : memref<10240x128xf32, #tpu.memory_space<vmem_shared>> -> memref<128x128xf32, #tpu.memory_space<vmem_shared>>
      %dma_start3A_57 = arith.constant 0 : i32
      %dma_start3A_58 = tpu.memref_slice %arg11[%multiple_of3A_14, %dma_start3A_57] : memref<10240x128xf32, #tpu.memory_space<vmem_shared>> -> memref<128x128xf32, #tpu.memory_space<vmem_shared>>
      tpu.enqueue_dma source(%arg10 : memref<128x128xf32, #tpu.memory_space<vmem>>) target(%dma_start3A_58 : memref<128x128xf32, #tpu.memory_space<vmem_shared>>) target_semaphore(%run_scoped3A : memref<!tpu.dma_semaphore, #tpu.memory_space<semaphore_mem>>)
      %dma_wait3A = arith.constant 0 : i32
      %dma_wait3A_59 = tpu.memref_slice %arg11[%multiple_of3A_14, %dma_wait3A] : memref<10240x128xf32, #tpu.memory_space<vmem_shared>> -> memref<128x128xf32, #tpu.memory_space<vmem_shared>>
      %dma_wait3A_60 = arith.constant 0 : i32
      %dma_wait3A_61 = tpu.memref_slice %arg11[%multiple_of3A_14, %dma_wait3A_60] : memref<10240x128xf32, #tpu.memory_space<vmem_shared>> -> memref<128x128xf32, #tpu.memory_space<vmem_shared>>
      tpu.wait_dma2 semaphore(%run_scoped3A : memref<!tpu.dma_semaphore, #tpu.memory_space<semaphore_mem>>) src(%arg10 : memref<128x128xf32, #tpu.memory_space<vmem>>) dst(%dma_wait3A_61 : memref<128x128xf32, #tpu.memory_space<vmem_shared>>)
      tpu.yield
    }) : () -> ()
    %mul3A_15 = arith.constant 640 : i32
    %mul3A_16 = arith.muli %arg1, %mul3A_15 : i32
    %add3A_17 = arith.constant 384 : i32
    %add3A_18 = arith.addi %mul3A_16, %add3A_17 : i32
    %multiple_of3A_19 = tpu.assume_multiple %add3A_18, 128 : i32
    "tpu.region"() ({
      %run_scoped3A = tpu.sem_alloc : memref<!tpu.dma_semaphore, #tpu.memory_space<semaphore_mem>>
      %dma_start3A = arith.constant 0 : i32
      %dma_start3A_56 = tpu.memref_slice %arg11[%multiple_of3A_19, %dma_start3A] : memref<10240x128xf32, #tpu.memory_space<vmem_shared>> -> memref<128x128xf32, #tpu.memory_space<vmem_shared>>
      %dma_start3A_57 = arith.constant 0 : i32
      %dma_start3A_58 = tpu.memref_slice %arg11[%multiple_of3A_19, %dma_start3A_57] : memref<10240x128xf32, #tpu.memory_space<vmem_shared>> -> memref<128x128xf32, #tpu.memory_space<vmem_shared>>
      tpu.enqueue_dma source(%arg10 : memref<128x128xf32, #tpu.memory_space<vmem>>) target(%dma_start3A_58 : memref<128x128xf32, #tpu.memory_space<vmem_shared>>) target_semaphore(%run_scoped3A : memref<!tpu.dma_semaphore, #tpu.memory_space<semaphore_mem>>)
      %dma_wait3A = arith.constant 0 : i32
      %dma_wait3A_59 = tpu.memref_slice %arg11[%multiple_of3A_19, %dma_wait3A] : memref<10240x128xf32, #tpu.memory_space<vmem_shared>> -> memref<128x128xf32, #tpu.memory_space<vmem_shared>>
      %dma_wait3A_60 = arith.constant 0 : i32
      %dma_wait3A_61 = tpu.memref_slice %arg11[%multiple_of3A_19, %dma_wait3A_60] : memref<10240x128xf32, #tpu.memory_space<vmem_shared>> -> memref<128x128xf32, #tpu.memory_space<vmem_shared>>
      tpu.wait_dma2 semaphore(%run_scoped3A : memref<!tpu.dma_semaphore, #tpu.memory_space<semaphore_mem>>) src(%arg10 : memref<128x128xf32, #tpu.memory_space<vmem>>) dst(%dma_wait3A_61 : memref<128x128xf32, #tpu.memory_space<vmem_shared>>)
      tpu.yield
    }) : () -> ()
    %mul3A_20 = arith.constant 640 : i32
    %mul3A_21 = arith.muli %arg1, %mul3A_20 : i32
    %add3A_22 = arith.constant 512 : i32
    %add3A_23 = arith.addi %mul3A_21, %add3A_22 : i32
    %multiple_of3A_24 = tpu.assume_multiple %add3A_23, 128 : i32
    "tpu.region"() ({
      %run_scoped3A = tpu.sem_alloc : memref<!tpu.dma_semaphore, #tpu.memory_space<semaphore_mem>>
      %dma_start3A = arith.constant 0 : i32
      %dma_start3A_56 = tpu.memref_slice %arg11[%multiple_of3A_24, %dma_start3A] : memref<10240x128xf32, #tpu.memory_space<vmem_shared>> -> memref<128x128xf32, #tpu.memory_space<vmem_shared>>
      %dma_start3A_57 = arith.constant 0 : i32
      %dma_start3A_58 = tpu.memref_slice %arg11[%multiple_of3A_24, %dma_start3A_57] : memref<10240x128xf32, #tpu.memory_space<vmem_shared>> -> memref<128x128xf32, #tpu.memory_space<vmem_shared>>
      tpu.enqueue_dma source(%arg10 : memref<128x128xf32, #tpu.memory_space<vmem>>) target(%dma_start3A_58 : memref<128x128xf32, #tpu.memory_space<vmem_shared>>) target_semaphore(%run_scoped3A : memref<!tpu.dma_semaphore, #tpu.memory_space<semaphore_mem>>)
      %dma_wait3A = arith.constant 0 : i32
      %dma_wait3A_59 = tpu.memref_slice %arg11[%multiple_of3A_24, %dma_wait3A] : memref<10240x128xf32, #tpu.memory_space<vmem_shared>> -> memref<128x128xf32, #tpu.memory_space<vmem_shared>>
      %dma_wait3A_60 = arith.constant 0 : i32
      %dma_wait3A_61 = tpu.memref_slice %arg11[%multiple_of3A_24, %dma_wait3A_60] : memref<10240x128xf32, #tpu.memory_space<vmem_shared>> -> memref<128x128xf32, #tpu.memory_space<vmem_shared>>
      tpu.wait_dma2 semaphore(%run_scoped3A : memref<!tpu.dma_semaphore, #tpu.memory_space<semaphore_mem>>) src(%arg10 : memref<128x128xf32, #tpu.memory_space<vmem>>) dst(%dma_wait3A_61 : memref<128x128xf32, #tpu.memory_space<vmem_shared>>)
      tpu.yield
    }) : () -> ()
    %barrier3A = arith.constant 0 : index
    tpu.barrier barrier_id(%barrier3A)
    %scan3A = arith.constant 0 : i32
    %scan3A_25 = arith.constant 0 : i32
    %scan3A_26 = arith.constant 125 : i32
    %scan3A_27 = arith.addi %scan3A_25, %scan3A_26 : i32
    %scan3A_28 = arith.constant 1 : i32
    scf.for %scan3A_56 = %scan3A_25 to %scan3A_27 step %scan3A_28  : i32 {
      %mul3A_57 = arith.constant 10000 : i32
      %mul3A_58 = arith.muli %add3A, %mul3A_57 : i32
      %mul3A_59 = arith.constant 80 : i32
      %mul3A_60 = arith.muli %scan3A_56, %mul3A_59 : i32
      %add3A_61 = arith.addi %mul3A_58, %mul3A_60 : i32
      %multiple_of3A_62 = tpu.assume_multiple %add3A_61, 8 : i32
      "tpu.region"() ({
        %run_scoped3A = tpu.sem_alloc : memref<!tpu.dma_semaphore, #tpu.memory_space<semaphore_mem>>
        %dma_start3A_67 = tpu.memref_slice %arg3[%multiple_of3A_62] : memref<320000xi32, #tpu.memory_space<hbm>> -> memref<80xi32, #tpu.memory_space<hbm>>
        %dma_start3A_68 = tpu.memref_slice %arg3[%multiple_of3A_62] : memref<320000xi32, #tpu.memory_space<hbm>> -> memref<80xi32, #tpu.memory_space<hbm>>
        tpu.enqueue_dma source(%dma_start3A_68 : memref<80xi32, #tpu.memory_space<hbm>>) target(%arg7 : memref<80xi32, #tpu.memory_space<vmem>>) target_semaphore(%run_scoped3A : memref<!tpu.dma_semaphore, #tpu.memory_space<semaphore_mem>>)
        %dma_wait3A_69 = tpu.memref_slice %arg3[%multiple_of3A_62] : memref<320000xi32, #tpu.memory_space<hbm>> -> memref<80xi32, #tpu.memory_space<hbm>>
        %dma_wait3A_70 = tpu.memref_slice %arg3[%multiple_of3A_62] : memref<320000xi32, #tpu.memory_space<hbm>> -> memref<80xi32, #tpu.memory_space<hbm>>
        tpu.wait_dma2 semaphore(%run_scoped3A : memref<!tpu.dma_semaphore, #tpu.memory_space<semaphore_mem>>) src(%dma_wait3A_70 : memref<80xi32, #tpu.memory_space<hbm>>) dst(%arg7 : memref<80xi32, #tpu.memory_space<vmem>>)
        tpu.yield
      }) : () -> ()
      "tpu.region"() ({
        %run_scoped3A = tpu.sem_alloc : memref<!tpu.dma_semaphore, #tpu.memory_space<semaphore_mem>>
        %dma_start3A_67 = tpu.memref_slice %arg4[%multiple_of3A_62] : memref<320000xi32, #tpu.memory_space<hbm>> -> memref<80xi32, #tpu.memory_space<hbm>>
        %dma_start3A_68 = tpu.memref_slice %arg4[%multiple_of3A_62] : memref<320000xi32, #tpu.memory_space<hbm>> -> memref<80xi32, #tpu.memory_space<hbm>>
        tpu.enqueue_dma source(%dma_start3A_68 : memref<80xi32, #tpu.memory_space<hbm>>) target(%arg8 : memref<80xi32, #tpu.memory_space<vmem>>) target_semaphore(%run_scoped3A : memref<!tpu.dma_semaphore, #tpu.memory_space<semaphore_mem>>)
        %dma_wait3A_69 = tpu.memref_slice %arg4[%multiple_of3A_62] : memref<320000xi32, #tpu.memory_space<hbm>> -> memref<80xi32, #tpu.memory_space<hbm>>
        %dma_wait3A_70 = tpu.memref_slice %arg4[%multiple_of3A_62] : memref<320000xi32, #tpu.memory_space<hbm>> -> memref<80xi32, #tpu.memory_space<hbm>>
        tpu.wait_dma2 semaphore(%run_scoped3A : memref<!tpu.dma_semaphore, #tpu.memory_space<semaphore_mem>>) src(%dma_wait3A_70 : memref<80xi32, #tpu.memory_space<hbm>>) dst(%arg8 : memref<80xi32, #tpu.memory_space<vmem>>)
        tpu.yield
      }) : () -> ()
      %dma_start3A = arith.constant 0 : i32
      %dma_start3A_63 = arith.constant 0 : i32
      %dma_start3A_64 = tpu.memref_slice %arg2[%dma_start3A, %dma_start3A_63] : memref<10000x128xf32, #tpu.memory_space<hbm>> -> memref<10000x128xf32, #tpu.memory_space<hbm>>
      tpu.enqueue_indirect_dma source(%dma_start3A_64 : memref<10000x128xf32, #tpu.memory_space<hbm>>) target(%arg9 : memref<80x128xf32, #tpu.memory_space<vmem>>) offsets(%arg7 : memref<80xi32, #tpu.memory_space<vmem>>) semaphore(%arg12 : memref<!tpu.dma_semaphore, #tpu.memory_space<semaphore_mem>>)
      %dma_wait3A = arith.constant 0 : i32
      %dma_wait3A_65 = arith.constant 0 : i32
      %dma_wait3A_66 = tpu.memref_slice %arg2[%dma_wait3A, %dma_wait3A_65] : memref<10000x128xf32, #tpu.memory_space<hbm>> -> memref<10000x128xf32, #tpu.memory_space<hbm>>
      tpu.wait_indirect_dma semaphore(%arg12 : memref<!tpu.dma_semaphore, #tpu.memory_space<semaphore_mem>>) src(%dma_wait3A_66 : memref<10000x128xf32, #tpu.memory_space<hbm>>) dst(%arg9 : memref<80x128xf32, #tpu.memory_space<vmem>>)
      "tpu.region"() ({
        %run_scoped3A = tpu.sem_alloc : memref<!tpu.dma_semaphore, #tpu.memory_space<semaphore_mem>>
        %dma_start3A_67 = arith.constant 0 : i32
        %dma_start3A_68 = arith.constant 0 : i32
        %dma_start3A_69 = tpu.memref_slice %arg11[%dma_start3A_67, %dma_start3A_68] : memref<10240x128xf32, #tpu.memory_space<vmem_shared>> -> memref<10240x128xf32, #tpu.memory_space<vmem_shared>>
        tpu.enqueue_indirect_dma source(%arg9 : memref<80x128xf32, #tpu.memory_space<vmem>>) target(%dma_start3A_69 : memref<10240x128xf32, #tpu.memory_space<vmem_shared>>) offsets(%arg8 : memref<80xi32, #tpu.memory_space<vmem>>) semaphore(%run_scoped3A : memref<!tpu.dma_semaphore, #tpu.memory_space<semaphore_mem>>) {add = true}
        %dma_wait3A_70 = arith.constant 0 : i32
        %dma_wait3A_71 = arith.constant 0 : i32
        %dma_wait3A_72 = tpu.memref_slice %arg11[%dma_wait3A_70, %dma_wait3A_71] : memref<10240x128xf32, #tpu.memory_space<vmem_shared>> -> memref<10240x128xf32, #tpu.memory_space<vmem_shared>>
        tpu.wait_indirect_dma semaphore(%run_scoped3A : memref<!tpu.dma_semaphore, #tpu.memory_space<semaphore_mem>>) src(%arg9 : memref<80x128xf32, #tpu.memory_space<vmem>>) dst(%dma_wait3A_72 : memref<10240x128xf32, #tpu.memory_space<vmem_shared>>)
        tpu.yield
      }) : () -> ()
    }
    %scan3A_29 = arith.constant 125 : i32
    %barrier3A_30 = arith.constant 0 : index
    tpu.barrier barrier_id(%barrier3A_30)
    %mul3A_31 = arith.constant 640 : i32
    %mul3A_32 = arith.muli %arg1, %mul3A_31 : i32
    %add3A_33 = arith.constant 0 : i32
    %add3A_34 = arith.addi %mul3A_32, %add3A_33 : i32
    %multiple_of3A_35 = tpu.assume_multiple %add3A_34, 128 : i32
    "tpu.region"() ({
      %run_scoped3A = tpu.sem_alloc : memref<!tpu.dma_semaphore, #tpu.memory_space<semaphore_mem>>
      %dma_start3A = arith.constant 0 : i32
      %dma_start3A_56 = tpu.memref_slice %arg11[%multiple_of3A_35, %dma_start3A] : memref<10240x128xf32, #tpu.memory_space<vmem_shared>> -> memref<128x128xf32, #tpu.memory_space<vmem_shared>>
      %dma_start3A_57 = arith.constant 0 : i32
      %dma_start3A_58 = tpu.memref_slice %arg11[%multiple_of3A_35, %dma_start3A_57] : memref<10240x128xf32, #tpu.memory_space<vmem_shared>> -> memref<128x128xf32, #tpu.memory_space<vmem_shared>>
      tpu.enqueue_dma source(%dma_start3A_58 : memref<128x128xf32, #tpu.memory_space<vmem_shared>>) target(%arg10 : memref<128x128xf32, #tpu.memory_space<vmem>>) target_semaphore(%run_scoped3A : memref<!tpu.dma_semaphore, #tpu.memory_space<semaphore_mem>>)
      %dma_wait3A = arith.constant 0 : i32
      %dma_wait3A_59 = tpu.memref_slice %arg11[%multiple_of3A_35, %dma_wait3A] : memref<10240x128xf32, #tpu.memory_space<vmem_shared>> -> memref<128x128xf32, #tpu.memory_space<vmem_shared>>
      %dma_wait3A_60 = arith.constant 0 : i32
      %dma_wait3A_61 = tpu.memref_slice %arg11[%multiple_of3A_35, %dma_wait3A_60] : memref<10240x128xf32, #tpu.memory_space<vmem_shared>> -> memref<128x128xf32, #tpu.memory_space<vmem_shared>>
      tpu.wait_dma2 semaphore(%run_scoped3A : memref<!tpu.dma_semaphore, #tpu.memory_space<semaphore_mem>>) src(%dma_wait3A_61 : memref<128x128xf32, #tpu.memory_space<vmem_shared>>) dst(%arg10 : memref<128x128xf32, #tpu.memory_space<vmem>>)
      tpu.yield
    }) : () -> ()
    "tpu.region"() ({
      %run_scoped3A = tpu.sem_alloc : memref<!tpu.dma_semaphore, #tpu.memory_space<semaphore_mem>>
      %dma_start3A = arith.constant 0 : i32
      %dma_start3A_56 = tpu.memref_slice %arg6[%arg0, %multiple_of3A_35, %dma_start3A] : memref<2x10240x128xf32, #tpu.memory_space<hbm>> -> memref<1x128x128xf32, #tpu.memory_space<hbm>>
      %dma_start3A_57 = tpu.memref_squeeze %dma_start3A_56 : memref<1x128x128xf32, #tpu.memory_space<hbm>> -> memref<128x128xf32, #tpu.memory_space<hbm>>
      %dma_start3A_58 = arith.constant 0 : i32
      %dma_start3A_59 = tpu.memref_slice %arg6[%arg0, %multiple_of3A_35, %dma_start3A_58] : memref<2x10240x128xf32, #tpu.memory_space<hbm>> -> memref<1x128x128xf32, #tpu.memory_space<hbm>>
      %dma_start3A_60 = tpu.memref_squeeze %dma_start3A_59 : memref<1x128x128xf32, #tpu.memory_space<hbm>> -> memref<128x128xf32, #tpu.memory_space<hbm>>
      tpu.enqueue_dma source(%arg10 : memref<128x128xf32, #tpu.memory_space<vmem>>) target(%dma_start3A_60 : memref<128x128xf32, #tpu.memory_space<hbm>>) target_semaphore(%run_scoped3A : memref<!tpu.dma_semaphore, #tpu.memory_space<semaphore_mem>>)
      %dma_wait3A = arith.constant 0 : i32
      %dma_wait3A_61 = tpu.memref_slice %arg6[%arg0, %multiple_of3A_35, %dma_wait3A] : memref<2x10240x128xf32, #tpu.memory_space<hbm>> -> memref<1x128x128xf32, #tpu.memory_space<hbm>>
      %dma_wait3A_62 = tpu.memref_squeeze %dma_wait3A_61 : memref<1x128x128xf32, #tpu.memory_space<hbm>> -> memref<128x128xf32, #tpu.memory_space<hbm>>
      %dma_wait3A_63 = arith.constant 0 : i32
      %dma_wait3A_64 = tpu.memref_slice %arg6[%arg0, %multiple_of3A_35, %dma_wait3A_63] : memref<2x10240x128xf32, #tpu.memory_space<hbm>> -> memref<1x128x128xf32, #tpu.memory_space<hbm>>
      %dma_wait3A_65 = tpu.memref_squeeze %dma_wait3A_64 : memref<1x128x128xf32, #tpu.memory_space<hbm>> -> memref<128x128xf32, #tpu.memory_space<hbm>>
      tpu.wait_dma2 semaphore(%run_scoped3A : memref<!tpu.dma_semaphore, #tpu.memory_space<semaphore_mem>>) src(%arg10 : memref<128x128xf32, #tpu.memory_space<vmem>>) dst(%dma_wait3A_65 : memref<128x128xf32, #tpu.memory_space<hbm>>)
      tpu.yield
    }) : () -> ()
    %mul3A_36 = arith.constant 640 : i32
    %mul3A_37 = arith.muli %arg1, %mul3A_36 : i32
    %add3A_38 = arith.constant 128 : i32
    %add3A_39 = arith.addi %mul3A_37, %add3A_38 : i32
    %multiple_of3A_40 = tpu.assume_multiple %add3A_39, 128 : i32
    "tpu.region"() ({
      %run_scoped3A = tpu.sem_alloc : memref<!tpu.dma_semaphore, #tpu.memory_space<semaphore_mem>>
      %dma_start3A = arith.constant 0 : i32
      %dma_start3A_56 = tpu.memref_slice %arg11[%multiple_of3A_40, %dma_start3A] : memref<10240x128xf32, #tpu.memory_space<vmem_shared>> -> memref<128x128xf32, #tpu.memory_space<vmem_shared>>
      %dma_start3A_57 = arith.constant 0 : i32
      %dma_start3A_58 = tpu.memref_slice %arg11[%multiple_of3A_40, %dma_start3A_57] : memref<10240x128xf32, #tpu.memory_space<vmem_shared>> -> memref<128x128xf32, #tpu.memory_space<vmem_shared>>
      tpu.enqueue_dma source(%dma_start3A_58 : memref<128x128xf32, #tpu.memory_space<vmem_shared>>) target(%arg10 : memref<128x128xf32, #tpu.memory_space<vmem>>) target_semaphore(%run_scoped3A : memref<!tpu.dma_semaphore, #tpu.memory_space<semaphore_mem>>)
      %dma_wait3A = arith.constant 0 : i32
      %dma_wait3A_59 = tpu.memref_slice %arg11[%multiple_of3A_40, %dma_wait3A] : memref<10240x128xf32, #tpu.memory_space<vmem_shared>> -> memref<128x128xf32, #tpu.memory_space<vmem_shared>>
      %dma_wait3A_60 = arith.constant 0 : i32
      %dma_wait3A_61 = tpu.memref_slice %arg11[%multiple_of3A_40, %dma_wait3A_60] : memref<10240x128xf32, #tpu.memory_space<vmem_shared>> -> memref<128x128xf32, #tpu.memory_space<vmem_shared>>
      tpu.wait_dma2 semaphore(%run_scoped3A : memref<!tpu.dma_semaphore, #tpu.memory_space<semaphore_mem>>) src(%dma_wait3A_61 : memref<128x128xf32, #tpu.memory_space<vmem_shared>>) dst(%arg10 : memref<128x128xf32, #tpu.memory_space<vmem>>)
      tpu.yield
    }) : () -> ()
    "tpu.region"() ({
      %run_scoped3A = tpu.sem_alloc : memref<!tpu.dma_semaphore, #tpu.memory_space<semaphore_mem>>
      %dma_start3A = arith.constant 0 : i32
      %dma_start3A_56 = tpu.memref_slice %arg6[%arg0, %multiple_of3A_40, %dma_start3A] : memref<2x10240x128xf32, #tpu.memory_space<hbm>> -> memref<1x128x128xf32, #tpu.memory_space<hbm>>
      %dma_start3A_57 = tpu.memref_squeeze %dma_start3A_56 : memref<1x128x128xf32, #tpu.memory_space<hbm>> -> memref<128x128xf32, #tpu.memory_space<hbm>>
      %dma_start3A_58 = arith.constant 0 : i32
      %dma_start3A_59 = tpu.memref_slice %arg6[%arg0, %multiple_of3A_40, %dma_start3A_58] : memref<2x10240x128xf32, #tpu.memory_space<hbm>> -> memref<1x128x128xf32, #tpu.memory_space<hbm>>
      %dma_start3A_60 = tpu.memref_squeeze %dma_start3A_59 : memref<1x128x128xf32, #tpu.memory_space<hbm>> -> memref<128x128xf32, #tpu.memory_space<hbm>>
      tpu.enqueue_dma source(%arg10 : memref<128x128xf32, #tpu.memory_space<vmem>>) target(%dma_start3A_60 : memref<128x128xf32, #tpu.memory_space<hbm>>) target_semaphore(%run_scoped3A : memref<!tpu.dma_semaphore, #tpu.memory_space<semaphore_mem>>)
      %dma_wait3A = arith.constant 0 : i32
      %dma_wait3A_61 = tpu.memref_slice %arg6[%arg0, %multiple_of3A_40, %dma_wait3A] : memref<2x10240x128xf32, #tpu.memory_space<hbm>> -> memref<1x128x128xf32, #tpu.memory_space<hbm>>
      %dma_wait3A_62 = tpu.memref_squeeze %dma_wait3A_61 : memref<1x128x128xf32, #tpu.memory_space<hbm>> -> memref<128x128xf32, #tpu.memory_space<hbm>>
      %dma_wait3A_63 = arith.constant 0 : i32
      %dma_wait3A_64 = tpu.memref_slice %arg6[%arg0, %multiple_of3A_40, %dma_wait3A_63] : memref<2x10240x128xf32, #tpu.memory_space<hbm>> -> memref<1x128x128xf32, #tpu.memory_space<hbm>>
      %dma_wait3A_65 = tpu.memref_squeeze %dma_wait3A_64 : memref<1x128x128xf32, #tpu.memory_space<hbm>> -> memref<128x128xf32, #tpu.memory_space<hbm>>
      tpu.wait_dma2 semaphore(%run_scoped3A : memref<!tpu.dma_semaphore, #tpu.memory_space<semaphore_mem>>) src(%arg10 : memref<128x128xf32, #tpu.memory_space<vmem>>) dst(%dma_wait3A_65 : memref<128x128xf32, #tpu.memory_space<hbm>>)
      tpu.yield
    }) : () -> ()
    %mul3A_41 = arith.constant 640 : i32
    %mul3A_42 = arith.muli %arg1, %mul3A_41 : i32
    %add3A_43 = arith.constant 256 : i32
    %add3A_44 = arith.addi %mul3A_42, %add3A_43 : i32
    %multiple_of3A_45 = tpu.assume_multiple %add3A_44, 128 : i32
    "tpu.region"() ({
      %run_scoped3A = tpu.sem_alloc : memref<!tpu.dma_semaphore, #tpu.memory_space<semaphore_mem>>
      %dma_start3A = arith.constant 0 : i32
      %dma_start3A_56 = tpu.memref_slice %arg11[%multiple_of3A_45, %dma_start3A] : memref<10240x128xf32, #tpu.memory_space<vmem_shared>> -> memref<128x128xf32, #tpu.memory_space<vmem_shared>>
      %dma_start3A_57 = arith.constant 0 : i32
      %dma_start3A_58 = tpu.memref_slice %arg11[%multiple_of3A_45, %dma_start3A_57] : memref<10240x128xf32, #tpu.memory_space<vmem_shared>> -> memref<128x128xf32, #tpu.memory_space<vmem_shared>>
      tpu.enqueue_dma source(%dma_start3A_58 : memref<128x128xf32, #tpu.memory_space<vmem_shared>>) target(%arg10 : memref<128x128xf32, #tpu.memory_space<vmem>>) target_semaphore(%run_scoped3A : memref<!tpu.dma_semaphore, #tpu.memory_space<semaphore_mem>>)
      %dma_wait3A = arith.constant 0 : i32
      %dma_wait3A_59 = tpu.memref_slice %arg11[%multiple_of3A_45, %dma_wait3A] : memref<10240x128xf32, #tpu.memory_space<vmem_shared>> -> memref<128x128xf32, #tpu.memory_space<vmem_shared>>
      %dma_wait3A_60 = arith.constant 0 : i32
      %dma_wait3A_61 = tpu.memref_slice %arg11[%multiple_of3A_45, %dma_wait3A_60] : memref<10240x128xf32, #tpu.memory_space<vmem_shared>> -> memref<128x128xf32, #tpu.memory_space<vmem_shared>>
      tpu.wait_dma2 semaphore(%run_scoped3A : memref<!tpu.dma_semaphore, #tpu.memory_space<semaphore_mem>>) src(%dma_wait3A_61 : memref<128x128xf32, #tpu.memory_space<vmem_shared>>) dst(%arg10 : memref<128x128xf32, #tpu.memory_space<vmem>>)
      tpu.yield
    }) : () -> ()
    "tpu.region"() ({
      %run_scoped3A = tpu.sem_alloc : memref<!tpu.dma_semaphore, #tpu.memory_space<semaphore_mem>>
      %dma_start3A = arith.constant 0 : i32
      %dma_start3A_56 = tpu.memref_slice %arg6[%arg0, %multiple_of3A_45, %dma_start3A] : memref<2x10240x128xf32, #tpu.memory_space<hbm>> -> memref<1x128x128xf32, #tpu.memory_space<hbm>>
      %dma_start3A_57 = tpu.memref_squeeze %dma_start3A_56 : memref<1x128x128xf32, #tpu.memory_space<hbm>> -> memref<128x128xf32, #tpu.memory_space<hbm>>
      %dma_start3A_58 = arith.constant 0 : i32
      %dma_start3A_59 = tpu.memref_slice %arg6[%arg0, %multiple_of3A_45, %dma_start3A_58] : memref<2x10240x128xf32, #tpu.memory_space<hbm>> -> memref<1x128x128xf32, #tpu.memory_space<hbm>>
      %dma_start3A_60 = tpu.memref_squeeze %dma_start3A_59 : memref<1x128x128xf32, #tpu.memory_space<hbm>> -> memref<128x128xf32, #tpu.memory_space<hbm>>
      tpu.enqueue_dma source(%arg10 : memref<128x128xf32, #tpu.memory_space<vmem>>) target(%dma_start3A_60 : memref<128x128xf32, #tpu.memory_space<hbm>>) target_semaphore(%run_scoped3A : memref<!tpu.dma_semaphore, #tpu.memory_space<semaphore_mem>>)
      %dma_wait3A = arith.constant 0 : i32
      %dma_wait3A_61 = tpu.memref_slice %arg6[%arg0, %multiple_of3A_45, %dma_wait3A] : memref<2x10240x128xf32, #tpu.memory_space<hbm>> -> memref<1x128x128xf32, #tpu.memory_space<hbm>>
      %dma_wait3A_62 = tpu.memref_squeeze %dma_wait3A_61 : memref<1x128x128xf32, #tpu.memory_space<hbm>> -> memref<128x128xf32, #tpu.memory_space<hbm>>
      %dma_wait3A_63 = arith.constant 0 : i32
      %dma_wait3A_64 = tpu.memref_slice %arg6[%arg0, %multiple_of3A_45, %dma_wait3A_63] : memref<2x10240x128xf32, #tpu.memory_space<hbm>> -> memref<1x128x128xf32, #tpu.memory_space<hbm>>
      %dma_wait3A_65 = tpu.memref_squeeze %dma_wait3A_64 : memref<1x128x128xf32, #tpu.memory_space<hbm>> -> memref<128x128xf32, #tpu.memory_space<hbm>>
      tpu.wait_dma2 semaphore(%run_scoped3A : memref<!tpu.dma_semaphore, #tpu.memory_space<semaphore_mem>>) src(%arg10 : memref<128x128xf32, #tpu.memory_space<vmem>>) dst(%dma_wait3A_65 : memref<128x128xf32, #tpu.memory_space<hbm>>)
      tpu.yield
    }) : () -> ()
    %mul3A_46 = arith.constant 640 : i32
    %mul3A_47 = arith.muli %arg1, %mul3A_46 : i32
    %add3A_48 = arith.constant 384 : i32
    %add3A_49 = arith.addi %mul3A_47, %add3A_48 : i32
    %multiple_of3A_50 = tpu.assume_multiple %add3A_49, 128 : i32
    "tpu.region"() ({
      %run_scoped3A = tpu.sem_alloc : memref<!tpu.dma_semaphore, #tpu.memory_space<semaphore_mem>>
      %dma_start3A = arith.constant 0 : i32
      %dma_start3A_56 = tpu.memref_slice %arg11[%multiple_of3A_50, %dma_start3A] : memref<10240x128xf32, #tpu.memory_space<vmem_shared>> -> memref<128x128xf32, #tpu.memory_space<vmem_shared>>
      %dma_start3A_57 = arith.constant 0 : i32
      %dma_start3A_58 = tpu.memref_slice %arg11[%multiple_of3A_50, %dma_start3A_57] : memref<10240x128xf32, #tpu.memory_space<vmem_shared>> -> memref<128x128xf32, #tpu.memory_space<vmem_shared>>
      tpu.enqueue_dma source(%dma_start3A_58 : memref<128x128xf32, #tpu.memory_space<vmem_shared>>) target(%arg10 : memref<128x128xf32, #tpu.memory_space<vmem>>) target_semaphore(%run_scoped3A : memref<!tpu.dma_semaphore, #tpu.memory_space<semaphore_mem>>)
      %dma_wait3A = arith.constant 0 : i32
      %dma_wait3A_59 = tpu.memref_slice %arg11[%multiple_of3A_50, %dma_wait3A] : memref<10240x128xf32, #tpu.memory_space<vmem_shared>> -> memref<128x128xf32, #tpu.memory_space<vmem_shared>>
      %dma_wait3A_60 = arith.constant 0 : i32
      %dma_wait3A_61 = tpu.memref_slice %arg11[%multiple_of3A_50, %dma_wait3A_60] : memref<10240x128xf32, #tpu.memory_space<vmem_shared>> -> memref<128x128xf32, #tpu.memory_space<vmem_shared>>
      tpu.wait_dma2 semaphore(%run_scoped3A : memref<!tpu.dma_semaphore, #tpu.memory_space<semaphore_mem>>) src(%dma_wait3A_61 : memref<128x128xf32, #tpu.memory_space<vmem_shared>>) dst(%arg10 : memref<128x128xf32, #tpu.memory_space<vmem>>)
      tpu.yield
    }) : () -> ()
    "tpu.region"() ({
      %run_scoped3A = tpu.sem_alloc : memref<!tpu.dma_semaphore, #tpu.memory_space<semaphore_mem>>
      %dma_start3A = arith.constant 0 : i32
      %dma_start3A_56 = tpu.memref_slice %arg6[%arg0, %multiple_of3A_50, %dma_start3A] : memref<2x10240x128xf32, #tpu.memory_space<hbm>> -> memref<1x128x128xf32, #tpu.memory_space<hbm>>
      %dma_start3A_57 = tpu.memref_squeeze %dma_start3A_56 : memref<1x128x128xf32, #tpu.memory_space<hbm>> -> memref<128x128xf32, #tpu.memory_space<hbm>>
      %dma_start3A_58 = arith.constant 0 : i32
      %dma_start3A_59 = tpu.memref_slice %arg6[%arg0, %multiple_of3A_50, %dma_start3A_58] : memref<2x10240x128xf32, #tpu.memory_space<hbm>> -> memref<1x128x128xf32, #tpu.memory_space<hbm>>
      %dma_start3A_60 = tpu.memref_squeeze %dma_start3A_59 : memref<1x128x128xf32, #tpu.memory_space<hbm>> -> memref<128x128xf32, #tpu.memory_space<hbm>>
      tpu.enqueue_dma source(%arg10 : memref<128x128xf32, #tpu.memory_space<vmem>>) target(%dma_start3A_60 : memref<128x128xf32, #tpu.memory_space<hbm>>) target_semaphore(%run_scoped3A : memref<!tpu.dma_semaphore, #tpu.memory_space<semaphore_mem>>)
      %dma_wait3A = arith.constant 0 : i32
      %dma_wait3A_61 = tpu.memref_slice %arg6[%arg0, %multiple_of3A_50, %dma_wait3A] : memref<2x10240x128xf32, #tpu.memory_space<hbm>> -> memref<1x128x128xf32, #tpu.memory_space<hbm>>
      %dma_wait3A_62 = tpu.memref_squeeze %dma_wait3A_61 : memref<1x128x128xf32, #tpu.memory_space<hbm>> -> memref<128x128xf32, #tpu.memory_space<hbm>>
      %dma_wait3A_63 = arith.constant 0 : i32
      %dma_wait3A_64 = tpu.memref_slice %arg6[%arg0, %multiple_of3A_50, %dma_wait3A_63] : memref<2x10240x128xf32, #tpu.memory_space<hbm>> -> memref<1x128x128xf32, #tpu.memory_space<hbm>>
      %dma_wait3A_65 = tpu.memref_squeeze %dma_wait3A_64 : memref<1x128x128xf32, #tpu.memory_space<hbm>> -> memref<128x128xf32, #tpu.memory_space<hbm>>
      tpu.wait_dma2 semaphore(%run_scoped3A : memref<!tpu.dma_semaphore, #tpu.memory_space<semaphore_mem>>) src(%arg10 : memref<128x128xf32, #tpu.memory_space<vmem>>) dst(%dma_wait3A_65 : memref<128x128xf32, #tpu.memory_space<hbm>>)
      tpu.yield
    }) : () -> ()
    %mul3A_51 = arith.constant 640 : i32
    %mul3A_52 = arith.muli %arg1, %mul3A_51 : i32
    %add3A_53 = arith.constant 512 : i32
    %add3A_54 = arith.addi %mul3A_52, %add3A_53 : i32
    %multiple_of3A_55 = tpu.assume_multiple %add3A_54, 128 : i32
    "tpu.region"() ({
      %run_scoped3A = tpu.sem_alloc : memref<!tpu.dma_semaphore, #tpu.memory_space<semaphore_mem>>
      %dma_start3A = arith.constant 0 : i32
      %dma_start3A_56 = tpu.memref_slice %arg11[%multiple_of3A_55, %dma_start3A] : memref<10240x128xf32, #tpu.memory_space<vmem_shared>> -> memref<128x128xf32, #tpu.memory_space<vmem_shared>>
      %dma_start3A_57 = arith.constant 0 : i32
      %dma_start3A_58 = tpu.memref_slice %arg11[%multiple_of3A_55, %dma_start3A_57] : memref<10240x128xf32, #tpu.memory_space<vmem_shared>> -> memref<128x128xf32, #tpu.memory_space<vmem_shared>>
      tpu.enqueue_dma source(%dma_start3A_58 : memref<128x128xf32, #tpu.memory_space<vmem_shared>>) target(%arg10 : memref<128x128xf32, #tpu.memory_space<vmem>>) target_semaphore(%run_scoped3A : memref<!tpu.dma_semaphore, #tpu.memory_space<semaphore_mem>>)
      %dma_wait3A = arith.constant 0 : i32
      %dma_wait3A_59 = tpu.memref_slice %arg11[%multiple_of3A_55, %dma_wait3A] : memref<10240x128xf32, #tpu.memory_space<vmem_shared>> -> memref<128x128xf32, #tpu.memory_space<vmem_shared>>
      %dma_wait3A_60 = arith.constant 0 : i32
      %dma_wait3A_61 = tpu.memref_slice %arg11[%multiple_of3A_55, %dma_wait3A_60] : memref<10240x128xf32, #tpu.memory_space<vmem_shared>> -> memref<128x128xf32, #tpu.memory_space<vmem_shared>>
      tpu.wait_dma2 semaphore(%run_scoped3A : memref<!tpu.dma_semaphore, #tpu.memory_space<semaphore_mem>>) src(%dma_wait3A_61 : memref<128x128xf32, #tpu.memory_space<vmem_shared>>) dst(%arg10 : memref<128x128xf32, #tpu.memory_space<vmem>>)
      tpu.yield
    }) : () -> ()
    "tpu.region"() ({
      %run_scoped3A = tpu.sem_alloc : memref<!tpu.dma_semaphore, #tpu.memory_space<semaphore_mem>>
      %dma_start3A = arith.constant 0 : i32
      %dma_start3A_56 = tpu.memref_slice %arg6[%arg0, %multiple_of3A_55, %dma_start3A] : memref<2x10240x128xf32, #tpu.memory_space<hbm>> -> memref<1x128x128xf32, #tpu.memory_space<hbm>>
      %dma_start3A_57 = tpu.memref_squeeze %dma_start3A_56 : memref<1x128x128xf32, #tpu.memory_space<hbm>> -> memref<128x128xf32, #tpu.memory_space<hbm>>
      %dma_start3A_58 = arith.constant 0 : i32
      %dma_start3A_59 = tpu.memref_slice %arg6[%arg0, %multiple_of3A_55, %dma_start3A_58] : memref<2x10240x128xf32, #tpu.memory_space<hbm>> -> memref<1x128x128xf32, #tpu.memory_space<hbm>>
      %dma_start3A_60 = tpu.memref_squeeze %dma_start3A_59 : memref<1x128x128xf32, #tpu.memory_space<hbm>> -> memref<128x128xf32, #tpu.memory_space<hbm>>
      tpu.enqueue_dma source(%arg10 : memref<128x128xf32, #tpu.memory_space<vmem>>) target(%dma_start3A_60 : memref<128x128xf32, #tpu.memory_space<hbm>>) target_semaphore(%run_scoped3A : memref<!tpu.dma_semaphore, #tpu.memory_space<semaphore_mem>>)
      %dma_wait3A = arith.constant 0 : i32
      %dma_wait3A_61 = tpu.memref_slice %arg6[%arg0, %multiple_of3A_55, %dma_wait3A] : memref<2x10240x128xf32, #tpu.memory_space<hbm>> -> memref<1x128x128xf32, #tpu.memory_space<hbm>>
      %dma_wait3A_62 = tpu.memref_squeeze %dma_wait3A_61 : memref<1x128x128xf32, #tpu.memory_space<hbm>> -> memref<128x128xf32, #tpu.memory_space<hbm>>
      %dma_wait3A_63 = arith.constant 0 : i32
      %dma_wait3A_64 = tpu.memref_slice %arg6[%arg0, %multiple_of3A_55, %dma_wait3A_63] : memref<2x10240x128xf32, #tpu.memory_space<hbm>> -> memref<1x128x128xf32, #tpu.memory_space<hbm>>
      %dma_wait3A_65 = tpu.memref_squeeze %dma_wait3A_64 : memref<1x128x128xf32, #tpu.memory_space<hbm>> -> memref<128x128xf32, #tpu.memory_space<hbm>>
      tpu.wait_dma2 semaphore(%run_scoped3A : memref<!tpu.dma_semaphore, #tpu.memory_space<semaphore_mem>>) src(%arg10 : memref<128x128xf32, #tpu.memory_space<vmem>>) dst(%dma_wait3A_65 : memref<128x128xf32, #tpu.memory_space<hbm>>)
      tpu.yield
    }) : () -> ()
    return
  }
}

#map = affine_map<(d0, d1) -> (0)>
#map1 = affine_map<(d0, d1) -> (0, 0)>
module attributes {stable_mosaic.version = 14 : i64} {
  func.func @k(%arg0: i32, %arg1: i32, %arg2: memref<320000xi32, #tpu.memory_space<hbm>>, %arg3: memref<640xf32, #tpu.memory_space<hbm>>, %arg4: memref<2x10240xf32, #tpu.memory_space<hbm>>, %arg5: memref<80xi32, #tpu.memory_space<vmem>>, %arg6: memref<80xf32, #tpu.memory_space<vmem>>, %arg7: memref<640xf32, #tpu.memory_space<vmem>>, %arg8: memref<10240xf32, #tpu.memory_space<vmem_shared>>) attributes {dimension_semantics = [#tpu.dimension_semantics<core_parallel>, #tpu.dimension_semantics<subcore_parallel>], iteration_bounds = array<i64: 2, 16>, scalar_prefetch = 0 : i64, scratch_operands = 4 : i64, tpu.core_type = #tpu.core_type<sc_vector_subcore>, window_params = [{transform_indices = #map}, {transform_indices = #map}, {transform_indices = #map1}]} {
    %mul3A = arith.constant 2 : i32
    %mul3A_0 = arith.muli %arg1, %mul3A : i32
    %add3A = arith.addi %mul3A_0, %arg0 : i32
    %broadcast_in_dim3A = arith.constant 1.000000e+00 : f32
    %broadcast_in_dim3A_1 = vector.broadcast %broadcast_in_dim3A : f32 to vector<16xf32>
    %swap3A = arith.constant 0 : index
    %swap3A_2 = tpu.vector_load %arg6[%swap3A] {strides = array<i32>} : memref<80xf32, #tpu.memory_space<vmem>>, vector<16xf32>,
    %swap3A_3 = vector.shape_cast %swap3A_2 : vector<16xf32> to vector<16xf32>
    %swap3A_4 = vector.shape_cast %broadcast_in_dim3A_1 : vector<16xf32> to vector<16xf32>
    tpu.vector_store %arg6[%swap3A], %swap3A_4 {strides = array<i32>} : memref<80xf32, #tpu.memory_space<vmem>>, vector<16xf32>,
    %swap3A_5 = arith.constant 16 : index
    %swap3A_6 = tpu.vector_load %arg6[%swap3A_5] {strides = array<i32>} : memref<80xf32, #tpu.memory_space<vmem>>, vector<16xf32>,
    %swap3A_7 = vector.shape_cast %swap3A_6 : vector<16xf32> to vector<16xf32>
    %swap3A_8 = vector.shape_cast %broadcast_in_dim3A_1 : vector<16xf32> to vector<16xf32>
    tpu.vector_store %arg6[%swap3A_5], %swap3A_8 {strides = array<i32>} : memref<80xf32, #tpu.memory_space<vmem>>, vector<16xf32>,
    %swap3A_9 = arith.constant 32 : index
    %swap3A_10 = tpu.vector_load %arg6[%swap3A_9] {strides = array<i32>} : memref<80xf32, #tpu.memory_space<vmem>>, vector<16xf32>,
    %swap3A_11 = vector.shape_cast %swap3A_10 : vector<16xf32> to vector<16xf32>
    %swap3A_12 = vector.shape_cast %broadcast_in_dim3A_1 : vector<16xf32> to vector<16xf32>
    tpu.vector_store %arg6[%swap3A_9], %swap3A_12 {strides = array<i32>} : memref<80xf32, #tpu.memory_space<vmem>>, vector<16xf32>,
    %swap3A_13 = arith.constant 48 : index
    %swap3A_14 = tpu.vector_load %arg6[%swap3A_13] {strides = array<i32>} : memref<80xf32, #tpu.memory_space<vmem>>, vector<16xf32>,
    %swap3A_15 = vector.shape_cast %swap3A_14 : vector<16xf32> to vector<16xf32>
    %swap3A_16 = vector.shape_cast %broadcast_in_dim3A_1 : vector<16xf32> to vector<16xf32>
    tpu.vector_store %arg6[%swap3A_13], %swap3A_16 {strides = array<i32>} : memref<80xf32, #tpu.memory_space<vmem>>, vector<16xf32>,
    %swap3A_17 = arith.constant 64 : index
    %swap3A_18 = tpu.vector_load %arg6[%swap3A_17] {strides = array<i32>} : memref<80xf32, #tpu.memory_space<vmem>>, vector<16xf32>,
    %swap3A_19 = vector.shape_cast %swap3A_18 : vector<16xf32> to vector<16xf32>
    %swap3A_20 = vector.shape_cast %broadcast_in_dim3A_1 : vector<16xf32> to vector<16xf32>
    tpu.vector_store %arg6[%swap3A_17], %swap3A_20 {strides = array<i32>} : memref<80xf32, #tpu.memory_space<vmem>>, vector<16xf32>,
    "tpu.region"() ({
      %run_scoped3A = tpu.sem_alloc : memref<!tpu.dma_semaphore, #tpu.memory_space<semaphore_mem>>
      tpu.enqueue_dma source(%arg3 : memref<640xf32, #tpu.memory_space<hbm>>) target(%arg7 : memref<640xf32, #tpu.memory_space<vmem>>) target_semaphore(%run_scoped3A : memref<!tpu.dma_semaphore, #tpu.memory_space<semaphore_mem>>)
      tpu.wait_dma2 semaphore(%run_scoped3A : memref<!tpu.dma_semaphore, #tpu.memory_space<semaphore_mem>>) src(%arg3 : memref<640xf32, #tpu.memory_space<hbm>>) dst(%arg7 : memref<640xf32, #tpu.memory_space<vmem>>)
      tpu.yield
    }) : () -> ()
    %mul3A_21 = arith.constant 640 : i32
    %mul3A_22 = arith.muli %arg1, %mul3A_21 : i32
    %multiple_of3A = tpu.assume_multiple %mul3A_22, 128 : i32
    "tpu.region"() ({
      %run_scoped3A = tpu.sem_alloc : memref<!tpu.dma_semaphore, #tpu.memory_space<semaphore_mem>>
      %dma_start3A = tpu.memref_slice %arg8[%multiple_of3A] : memref<10240xf32, #tpu.memory_space<vmem_shared>> -> memref<640xf32, #tpu.memory_space<vmem_shared>>
      %dma_start3A_32 = tpu.memref_slice %arg8[%multiple_of3A] : memref<10240xf32, #tpu.memory_space<vmem_shared>> -> memref<640xf32, #tpu.memory_space<vmem_shared>>
      tpu.enqueue_dma source(%arg7 : memref<640xf32, #tpu.memory_space<vmem>>) target(%dma_start3A_32 : memref<640xf32, #tpu.memory_space<vmem_shared>>) target_semaphore(%run_scoped3A : memref<!tpu.dma_semaphore, #tpu.memory_space<semaphore_mem>>)
      %dma_wait3A = tpu.memref_slice %arg8[%multiple_of3A] : memref<10240xf32, #tpu.memory_space<vmem_shared>> -> memref<640xf32, #tpu.memory_space<vmem_shared>>
      %dma_wait3A_33 = tpu.memref_slice %arg8[%multiple_of3A] : memref<10240xf32, #tpu.memory_space<vmem_shared>> -> memref<640xf32, #tpu.memory_space<vmem_shared>>
      tpu.wait_dma2 semaphore(%run_scoped3A : memref<!tpu.dma_semaphore, #tpu.memory_space<semaphore_mem>>) src(%arg7 : memref<640xf32, #tpu.memory_space<vmem>>) dst(%dma_wait3A_33 : memref<640xf32, #tpu.memory_space<vmem_shared>>)
      tpu.yield
    }) : () -> ()
    %barrier3A = arith.constant 0 : index
    tpu.barrier barrier_id(%barrier3A)
    %scan3A = arith.constant 0 : i32
    %scan3A_23 = arith.constant 0 : i32
    %scan3A_24 = arith.constant 125 : i32
    %scan3A_25 = arith.addi %scan3A_23, %scan3A_24 : i32
    %scan3A_26 = arith.constant 1 : i32
    scf.for %scan3A_32 = %scan3A_23 to %scan3A_25 step %scan3A_26  : i32 {
      %mul3A_33 = arith.constant 10000 : i32
      %mul3A_34 = arith.muli %add3A, %mul3A_33 : i32
      %mul3A_35 = arith.constant 80 : i32
      %mul3A_36 = arith.muli %scan3A_32, %mul3A_35 : i32
      %add3A_37 = arith.addi %mul3A_34, %mul3A_36 : i32
      %multiple_of3A_38 = tpu.assume_multiple %add3A_37, 8 : i32
      "tpu.region"() ({
        %run_scoped3A = tpu.sem_alloc : memref<!tpu.dma_semaphore, #tpu.memory_space<semaphore_mem>>
        %dma_start3A = tpu.memref_slice %arg2[%multiple_of3A_38] : memref<320000xi32, #tpu.memory_space<hbm>> -> memref<80xi32, #tpu.memory_space<hbm>>
        %dma_start3A_39 = tpu.memref_slice %arg2[%multiple_of3A_38] : memref<320000xi32, #tpu.memory_space<hbm>> -> memref<80xi32, #tpu.memory_space<hbm>>
        tpu.enqueue_dma source(%dma_start3A_39 : memref<80xi32, #tpu.memory_space<hbm>>) target(%arg5 : memref<80xi32, #tpu.memory_space<vmem>>) target_semaphore(%run_scoped3A : memref<!tpu.dma_semaphore, #tpu.memory_space<semaphore_mem>>)
        %dma_wait3A = tpu.memref_slice %arg2[%multiple_of3A_38] : memref<320000xi32, #tpu.memory_space<hbm>> -> memref<80xi32, #tpu.memory_space<hbm>>
        %dma_wait3A_40 = tpu.memref_slice %arg2[%multiple_of3A_38] : memref<320000xi32, #tpu.memory_space<hbm>> -> memref<80xi32, #tpu.memory_space<hbm>>
        tpu.wait_dma2 semaphore(%run_scoped3A : memref<!tpu.dma_semaphore, #tpu.memory_space<semaphore_mem>>) src(%dma_wait3A_40 : memref<80xi32, #tpu.memory_space<hbm>>) dst(%arg5 : memref<80xi32, #tpu.memory_space<vmem>>)
        tpu.yield
      }) : () -> ()
      "tpu.region"() ({
        %run_scoped3A = tpu.sem_alloc : memref<!tpu.dma_semaphore, #tpu.memory_space<semaphore_mem>>
        %dma_start3A = arith.constant 0 : i32
        %dma_start3A_39 = tpu.memref_slice %arg8[%dma_start3A] : memref<10240xf32, #tpu.memory_space<vmem_shared>> -> memref<10240xf32, #tpu.memory_space<vmem_shared>>
        tpu.enqueue_indirect_dma source(%arg6 : memref<80xf32, #tpu.memory_space<vmem>>) target(%dma_start3A_39 : memref<10240xf32, #tpu.memory_space<vmem_shared>>) offsets(%arg5 : memref<80xi32, #tpu.memory_space<vmem>>) semaphore(%run_scoped3A : memref<!tpu.dma_semaphore, #tpu.memory_space<semaphore_mem>>) {add = true}
        %dma_wait3A = arith.constant 0 : i32
        %dma_wait3A_40 = tpu.memref_slice %arg8[%dma_wait3A] : memref<10240xf32, #tpu.memory_space<vmem_shared>> -> memref<10240xf32, #tpu.memory_space<vmem_shared>>
        tpu.wait_indirect_dma semaphore(%run_scoped3A : memref<!tpu.dma_semaphore, #tpu.memory_space<semaphore_mem>>) src(%arg6 : memref<80xf32, #tpu.memory_space<vmem>>) dst(%dma_wait3A_40 : memref<10240xf32, #tpu.memory_space<vmem_shared>>)
        tpu.yield
      }) : () -> ()
    }
    %scan3A_27 = arith.constant 125 : i32
    %barrier3A_28 = arith.constant 0 : index
    tpu.barrier barrier_id(%barrier3A_28)
    %mul3A_29 = arith.constant 640 : i32
    %mul3A_30 = arith.muli %arg1, %mul3A_29 : i32
    %multiple_of3A_31 = tpu.assume_multiple %mul3A_30, 128 : i32
    "tpu.region"() ({
      %run_scoped3A = tpu.sem_alloc : memref<!tpu.dma_semaphore, #tpu.memory_space<semaphore_mem>>
      %dma_start3A = tpu.memref_slice %arg8[%multiple_of3A_31] : memref<10240xf32, #tpu.memory_space<vmem_shared>> -> memref<640xf32, #tpu.memory_space<vmem_shared>>
      %dma_start3A_32 = tpu.memref_slice %arg8[%multiple_of3A_31] : memref<10240xf32, #tpu.memory_space<vmem_shared>> -> memref<640xf32, #tpu.memory_space<vmem_shared>>
      tpu.enqueue_dma source(%dma_start3A_32 : memref<640xf32, #tpu.memory_space<vmem_shared>>) target(%arg7 : memref<640xf32, #tpu.memory_space<vmem>>) target_semaphore(%run_scoped3A : memref<!tpu.dma_semaphore, #tpu.memory_space<semaphore_mem>>)
      %dma_wait3A = tpu.memref_slice %arg8[%multiple_of3A_31] : memref<10240xf32, #tpu.memory_space<vmem_shared>> -> memref<640xf32, #tpu.memory_space<vmem_shared>>
      %dma_wait3A_33 = tpu.memref_slice %arg8[%multiple_of3A_31] : memref<10240xf32, #tpu.memory_space<vmem_shared>> -> memref<640xf32, #tpu.memory_space<vmem_shared>>
      tpu.wait_dma2 semaphore(%run_scoped3A : memref<!tpu.dma_semaphore, #tpu.memory_space<semaphore_mem>>) src(%dma_wait3A_33 : memref<640xf32, #tpu.memory_space<vmem_shared>>) dst(%arg7 : memref<640xf32, #tpu.memory_space<vmem>>)
      tpu.yield
    }) : () -> ()
    "tpu.region"() ({
      %run_scoped3A = tpu.sem_alloc : memref<!tpu.dma_semaphore, #tpu.memory_space<semaphore_mem>>
      %dma_start3A = tpu.memref_slice %arg4[%arg0, %multiple_of3A_31] : memref<2x10240xf32, #tpu.memory_space<hbm>> -> memref<1x640xf32, #tpu.memory_space<hbm>>
      %dma_start3A_32 = tpu.memref_squeeze %dma_start3A : memref<1x640xf32, #tpu.memory_space<hbm>> -> memref<640xf32, #tpu.memory_space<hbm>>
      %dma_start3A_33 = tpu.memref_slice %arg4[%arg0, %multiple_of3A_31] : memref<2x10240xf32, #tpu.memory_space<hbm>> -> memref<1x640xf32, #tpu.memory_space<hbm>>
      %dma_start3A_34 = tpu.memref_squeeze %dma_start3A_33 : memref<1x640xf32, #tpu.memory_space<hbm>> -> memref<640xf32, #tpu.memory_space<hbm>>
      tpu.enqueue_dma source(%arg7 : memref<640xf32, #tpu.memory_space<vmem>>) target(%dma_start3A_34 : memref<640xf32, #tpu.memory_space<hbm>>) target_semaphore(%run_scoped3A : memref<!tpu.dma_semaphore, #tpu.memory_space<semaphore_mem>>)
      %dma_wait3A = tpu.memref_slice %arg4[%arg0, %multiple_of3A_31] : memref<2x10240xf32, #tpu.memory_space<hbm>> -> memref<1x640xf32, #tpu.memory_space<hbm>>
      %dma_wait3A_35 = tpu.memref_squeeze %dma_wait3A : memref<1x640xf32, #tpu.memory_space<hbm>> -> memref<640xf32, #tpu.memory_space<hbm>>
      %dma_wait3A_36 = tpu.memref_slice %arg4[%arg0, %multiple_of3A_31] : memref<2x10240xf32, #tpu.memory_space<hbm>> -> memref<1x640xf32, #tpu.memory_space<hbm>>
      %dma_wait3A_37 = tpu.memref_squeeze %dma_wait3A_36 : memref<1x640xf32, #tpu.memory_space<hbm>> -> memref<640xf32, #tpu.memory_space<hbm>>
      tpu.wait_dma2 semaphore(%run_scoped3A : memref<!tpu.dma_semaphore, #tpu.memory_space<semaphore_mem>>) src(%arg7 : memref<640xf32, #tpu.memory_space<vmem>>) dst(%dma_wait3A_37 : memref<640xf32, #tpu.memory_space<hbm>>)
      tpu.yield
    }) : () -> ()
    return
  }
}

#map = affine_map<(d0, d1) -> (0, 0)>
#map1 = affine_map<(d0, d1) -> (0)>
#map2 = affine_map<(d0, d1) -> (0, 0, 0)>
module attributes {stable_mosaic.version = 14 : i64} {
  func.func @k(%arg0: i32, %arg1: i32, %arg2: memref<10000x128xf32, #tpu.memory_space<hbm>>, %arg3: memref<320000xi32, #tpu.memory_space<hbm>>, %arg4: memref<320000xi32, #tpu.memory_space<hbm>>, %arg5: memref<128x128xf32, #tpu.memory_space<hbm>>, %arg6: memref<2x10240x128xf32, #tpu.memory_space<hbm>>, %arg7: memref<80xi32, #tpu.memory_space<vmem>>, %arg8: memref<80xi32, #tpu.memory_space<vmem>>, %arg9: memref<80x128xf32, #tpu.memory_space<vmem>>, %arg10: memref<128x128xf32, #tpu.memory_space<vmem>>, %arg11: memref<10240x128xf32, #tpu.memory_space<vmem_shared>>, %arg12: memref<!tpu.dma_semaphore, #tpu.memory_space<semaphore_mem>>) attributes {dimension_semantics = [#tpu.dimension_semantics<core_parallel>, #tpu.dimension_semantics<subcore_parallel>], iteration_bounds = array<i64: 2, 16>, scalar_prefetch = 0 : i64, scratch_operands = 6 : i64, tpu.core_type = #tpu.core_type<sc_vector_subcore>, window_params = [{transform_indices = #map}, {transform_indices = #map1}, {transform_indices = #map1}, {transform_indices = #map}, {transform_indices = #map2}]} {
    %mul3A = arith.constant 2 : i32
    %mul3A_0 = arith.muli %arg1, %mul3A : i32
    %add3A = arith.addi %mul3A_0, %arg0 : i32
    "tpu.region"() ({
      %run_scoped3A = tpu.sem_alloc : memref<!tpu.dma_semaphore, #tpu.memory_space<semaphore_mem>>
      tpu.enqueue_dma source(%arg5 : memref<128x128xf32, #tpu.memory_space<hbm>>) target(%arg10 : memref<128x128xf32, #tpu.memory_space<vmem>>) target_semaphore(%run_scoped3A : memref<!tpu.dma_semaphore, #tpu.memory_space<semaphore_mem>>)
      tpu.wait_dma2 semaphore(%run_scoped3A : memref<!tpu.dma_semaphore, #tpu.memory_space<semaphore_mem>>) src(%arg5 : memref<128x128xf32, #tpu.memory_space<hbm>>) dst(%arg10 : memref<128x128xf32, #tpu.memory_space<vmem>>)
      tpu.yield
    }) : () -> ()
    %mul3A_1 = arith.constant 640 : i32
    %mul3A_2 = arith.muli %arg1, %mul3A_1 : i32
    %add3A_3 = arith.constant 0 : i32
    %add3A_4 = arith.addi %mul3A_2, %add3A_3 : i32
    %multiple_of3A = tpu.assume_multiple %add3A_4, 128 : i32
    "tpu.region"() ({
      %run_scoped3A = tpu.sem_alloc : memref<!tpu.dma_semaphore, #tpu.memory_space<semaphore_mem>>
      %dma_start3A = arith.constant 0 : i32
      %dma_start3A_56 = tpu.memref_slice %arg11[%multiple_of3A, %dma_start3A] : memref<10240x128xf32, #tpu.memory_space<vmem_shared>> -> memref<128x128xf32, #tpu.memory_space<vmem_shared>>
      %dma_start3A_57 = arith.constant 0 : i32
      %dma_start3A_58 = tpu.memref_slice %arg11[%multiple_of3A, %dma_start3A_57] : memref<10240x128xf32, #tpu.memory_space<vmem_shared>> -> memref<128x128xf32, #tpu.memory_space<vmem_shared>>
      tpu.enqueue_dma source(%arg10 : memref<128x128xf32, #tpu.memory_space<vmem>>) target(%dma_start3A_58 : memref<128x128xf32, #tpu.memory_space<vmem_shared>>) target_semaphore(%run_scoped3A : memref<!tpu.dma_semaphore, #tpu.memory_space<semaphore_mem>>)
      %dma_wait3A = arith.constant 0 : i32
      %dma_wait3A_59 = tpu.memref_slice %arg11[%multiple_of3A, %dma_wait3A] : memref<10240x128xf32, #tpu.memory_space<vmem_shared>> -> memref<128x128xf32, #tpu.memory_space<vmem_shared>>
      %dma_wait3A_60 = arith.constant 0 : i32
      %dma_wait3A_61 = tpu.memref_slice %arg11[%multiple_of3A, %dma_wait3A_60] : memref<10240x128xf32, #tpu.memory_space<vmem_shared>> -> memref<128x128xf32, #tpu.memory_space<vmem_shared>>
      tpu.wait_dma2 semaphore(%run_scoped3A : memref<!tpu.dma_semaphore, #tpu.memory_space<semaphore_mem>>) src(%arg10 : memref<128x128xf32, #tpu.memory_space<vmem>>) dst(%dma_wait3A_61 : memref<128x128xf32, #tpu.memory_space<vmem_shared>>)
      tpu.yield
    }) : () -> ()
    %mul3A_5 = arith.constant 640 : i32
    %mul3A_6 = arith.muli %arg1, %mul3A_5 : i32
    %add3A_7 = arith.constant 128 : i32
    %add3A_8 = arith.addi %mul3A_6, %add3A_7 : i32
    %multiple_of3A_9 = tpu.assume_multiple %add3A_8, 128 : i32
    "tpu.region"() ({
      %run_scoped3A = tpu.sem_alloc : memref<!tpu.dma_semaphore, #tpu.memory_space<semaphore_mem>>
      %dma_start3A = arith.constant 0 : i32
      %dma_start3A_56 = tpu.memref_slice %arg11[%multiple_of3A_9, %dma_start3A] : memref<10240x128xf32, #tpu.memory_space<vmem_shared>> -> memref<128x128xf32, #tpu.memory_space<vmem_shared>>
      %dma_start3A_57 = arith.constant 0 : i32
      %dma_start3A_58 = tpu.memref_slice %arg11[%multiple_of3A_9, %dma_start3A_57] : memref<10240x128xf32, #tpu.memory_space<vmem_shared>> -> memref<128x128xf32, #tpu.memory_space<vmem_shared>>
      tpu.enqueue_dma source(%arg10 : memref<128x128xf32, #tpu.memory_space<vmem>>) target(%dma_start3A_58 : memref<128x128xf32, #tpu.memory_space<vmem_shared>>) target_semaphore(%run_scoped3A : memref<!tpu.dma_semaphore, #tpu.memory_space<semaphore_mem>>)
      %dma_wait3A = arith.constant 0 : i32
      %dma_wait3A_59 = tpu.memref_slice %arg11[%multiple_of3A_9, %dma_wait3A] : memref<10240x128xf32, #tpu.memory_space<vmem_shared>> -> memref<128x128xf32, #tpu.memory_space<vmem_shared>>
      %dma_wait3A_60 = arith.constant 0 : i32
      %dma_wait3A_61 = tpu.memref_slice %arg11[%multiple_of3A_9, %dma_wait3A_60] : memref<10240x128xf32, #tpu.memory_space<vmem_shared>> -> memref<128x128xf32, #tpu.memory_space<vmem_shared>>
      tpu.wait_dma2 semaphore(%run_scoped3A : memref<!tpu.dma_semaphore, #tpu.memory_space<semaphore_mem>>) src(%arg10 : memref<128x128xf32, #tpu.memory_space<vmem>>) dst(%dma_wait3A_61 : memref<128x128xf32, #tpu.memory_space<vmem_shared>>)
      tpu.yield
    }) : () -> ()
    %mul3A_10 = arith.constant 640 : i32
    %mul3A_11 = arith.muli %arg1, %mul3A_10 : i32
    %add3A_12 = arith.constant 256 : i32
    %add3A_13 = arith.addi %mul3A_11, %add3A_12 : i32
    %multiple_of3A_14 = tpu.assume_multiple %add3A_13, 128 : i32
    "tpu.region"() ({
      %run_scoped3A = tpu.sem_alloc : memref<!tpu.dma_semaphore, #tpu.memory_space<semaphore_mem>>
      %dma_start3A = arith.constant 0 : i32
      %dma_start3A_56 = tpu.memref_slice %arg11[%multiple_of3A_14, %dma_start3A] : memref<10240x128xf32, #tpu.memory_space<vmem_shared>> -> memref<128x128xf32, #tpu.memory_space<vmem_shared>>
      %dma_start3A_57 = arith.constant 0 : i32
      %dma_start3A_58 = tpu.memref_slice %arg11[%multiple_of3A_14, %dma_start3A_57] : memref<10240x128xf32, #tpu.memory_space<vmem_shared>> -> memref<128x128xf32, #tpu.memory_space<vmem_shared>>
      tpu.enqueue_dma source(%arg10 : memref<128x128xf32, #tpu.memory_space<vmem>>) target(%dma_start3A_58 : memref<128x128xf32, #tpu.memory_space<vmem_shared>>) target_semaphore(%run_scoped3A : memref<!tpu.dma_semaphore, #tpu.memory_space<semaphore_mem>>)
      %dma_wait3A = arith.constant 0 : i32
      %dma_wait3A_59 = tpu.memref_slice %arg11[%multiple_of3A_14, %dma_wait3A] : memref<10240x128xf32, #tpu.memory_space<vmem_shared>> -> memref<128x128xf32, #tpu.memory_space<vmem_shared>>
      %dma_wait3A_60 = arith.constant 0 : i32
      %dma_wait3A_61 = tpu.memref_slice %arg11[%multiple_of3A_14, %dma_wait3A_60] : memref<10240x128xf32, #tpu.memory_space<vmem_shared>> -> memref<128x128xf32, #tpu.memory_space<vmem_shared>>
      tpu.wait_dma2 semaphore(%run_scoped3A : memref<!tpu.dma_semaphore, #tpu.memory_space<semaphore_mem>>) src(%arg10 : memref<128x128xf32, #tpu.memory_space<vmem>>) dst(%dma_wait3A_61 : memref<128x128xf32, #tpu.memory_space<vmem_shared>>)
      tpu.yield
    }) : () -> ()
    %mul3A_15 = arith.constant 640 : i32
    %mul3A_16 = arith.muli %arg1, %mul3A_15 : i32
    %add3A_17 = arith.constant 384 : i32
    %add3A_18 = arith.addi %mul3A_16, %add3A_17 : i32
    %multiple_of3A_19 = tpu.assume_multiple %add3A_18, 128 : i32
    "tpu.region"() ({
      %run_scoped3A = tpu.sem_alloc : memref<!tpu.dma_semaphore, #tpu.memory_space<semaphore_mem>>
      %dma_start3A = arith.constant 0 : i32
      %dma_start3A_56 = tpu.memref_slice %arg11[%multiple_of3A_19, %dma_start3A] : memref<10240x128xf32, #tpu.memory_space<vmem_shared>> -> memref<128x128xf32, #tpu.memory_space<vmem_shared>>
      %dma_start3A_57 = arith.constant 0 : i32
      %dma_start3A_58 = tpu.memref_slice %arg11[%multiple_of3A_19, %dma_start3A_57] : memref<10240x128xf32, #tpu.memory_space<vmem_shared>> -> memref<128x128xf32, #tpu.memory_space<vmem_shared>>
      tpu.enqueue_dma source(%arg10 : memref<128x128xf32, #tpu.memory_space<vmem>>) target(%dma_start3A_58 : memref<128x128xf32, #tpu.memory_space<vmem_shared>>) target_semaphore(%run_scoped3A : memref<!tpu.dma_semaphore, #tpu.memory_space<semaphore_mem>>)
      %dma_wait3A = arith.constant 0 : i32
      %dma_wait3A_59 = tpu.memref_slice %arg11[%multiple_of3A_19, %dma_wait3A] : memref<10240x128xf32, #tpu.memory_space<vmem_shared>> -> memref<128x128xf32, #tpu.memory_space<vmem_shared>>
      %dma_wait3A_60 = arith.constant 0 : i32
      %dma_wait3A_61 = tpu.memref_slice %arg11[%multiple_of3A_19, %dma_wait3A_60] : memref<10240x128xf32, #tpu.memory_space<vmem_shared>> -> memref<128x128xf32, #tpu.memory_space<vmem_shared>>
      tpu.wait_dma2 semaphore(%run_scoped3A : memref<!tpu.dma_semaphore, #tpu.memory_space<semaphore_mem>>) src(%arg10 : memref<128x128xf32, #tpu.memory_space<vmem>>) dst(%dma_wait3A_61 : memref<128x128xf32, #tpu.memory_space<vmem_shared>>)
      tpu.yield
    }) : () -> ()
    %mul3A_20 = arith.constant 640 : i32
    %mul3A_21 = arith.muli %arg1, %mul3A_20 : i32
    %add3A_22 = arith.constant 512 : i32
    %add3A_23 = arith.addi %mul3A_21, %add3A_22 : i32
    %multiple_of3A_24 = tpu.assume_multiple %add3A_23, 128 : i32
    "tpu.region"() ({
      %run_scoped3A = tpu.sem_alloc : memref<!tpu.dma_semaphore, #tpu.memory_space<semaphore_mem>>
      %dma_start3A = arith.constant 0 : i32
      %dma_start3A_56 = tpu.memref_slice %arg11[%multiple_of3A_24, %dma_start3A] : memref<10240x128xf32, #tpu.memory_space<vmem_shared>> -> memref<128x128xf32, #tpu.memory_space<vmem_shared>>
      %dma_start3A_57 = arith.constant 0 : i32
      %dma_start3A_58 = tpu.memref_slice %arg11[%multiple_of3A_24, %dma_start3A_57] : memref<10240x128xf32, #tpu.memory_space<vmem_shared>> -> memref<128x128xf32, #tpu.memory_space<vmem_shared>>
      tpu.enqueue_dma source(%arg10 : memref<128x128xf32, #tpu.memory_space<vmem>>) target(%dma_start3A_58 : memref<128x128xf32, #tpu.memory_space<vmem_shared>>) target_semaphore(%run_scoped3A : memref<!tpu.dma_semaphore, #tpu.memory_space<semaphore_mem>>)
      %dma_wait3A = arith.constant 0 : i32
      %dma_wait3A_59 = tpu.memref_slice %arg11[%multiple_of3A_24, %dma_wait3A] : memref<10240x128xf32, #tpu.memory_space<vmem_shared>> -> memref<128x128xf32, #tpu.memory_space<vmem_shared>>
      %dma_wait3A_60 = arith.constant 0 : i32
      %dma_wait3A_61 = tpu.memref_slice %arg11[%multiple_of3A_24, %dma_wait3A_60] : memref<10240x128xf32, #tpu.memory_space<vmem_shared>> -> memref<128x128xf32, #tpu.memory_space<vmem_shared>>
      tpu.wait_dma2 semaphore(%run_scoped3A : memref<!tpu.dma_semaphore, #tpu.memory_space<semaphore_mem>>) src(%arg10 : memref<128x128xf32, #tpu.memory_space<vmem>>) dst(%dma_wait3A_61 : memref<128x128xf32, #tpu.memory_space<vmem_shared>>)
      tpu.yield
    }) : () -> ()
    %barrier3A = arith.constant 0 : index
    tpu.barrier barrier_id(%barrier3A)
    %scan3A = arith.constant 0 : i32
    %scan3A_25 = arith.constant 0 : i32
    %scan3A_26 = arith.constant 125 : i32
    %scan3A_27 = arith.addi %scan3A_25, %scan3A_26 : i32
    %scan3A_28 = arith.constant 1 : i32
    scf.for %scan3A_56 = %scan3A_25 to %scan3A_27 step %scan3A_28  : i32 {
      %mul3A_57 = arith.constant 10000 : i32
      %mul3A_58 = arith.muli %add3A, %mul3A_57 : i32
      %mul3A_59 = arith.constant 80 : i32
      %mul3A_60 = arith.muli %scan3A_56, %mul3A_59 : i32
      %add3A_61 = arith.addi %mul3A_58, %mul3A_60 : i32
      %multiple_of3A_62 = tpu.assume_multiple %add3A_61, 8 : i32
      "tpu.region"() ({
        %run_scoped3A = tpu.sem_alloc : memref<!tpu.dma_semaphore, #tpu.memory_space<semaphore_mem>>
        %dma_start3A_67 = tpu.memref_slice %arg3[%multiple_of3A_62] : memref<320000xi32, #tpu.memory_space<hbm>> -> memref<80xi32, #tpu.memory_space<hbm>>
        %dma_start3A_68 = tpu.memref_slice %arg3[%multiple_of3A_62] : memref<320000xi32, #tpu.memory_space<hbm>> -> memref<80xi32, #tpu.memory_space<hbm>>
        tpu.enqueue_dma source(%dma_start3A_68 : memref<80xi32, #tpu.memory_space<hbm>>) target(%arg7 : memref<80xi32, #tpu.memory_space<vmem>>) target_semaphore(%run_scoped3A : memref<!tpu.dma_semaphore, #tpu.memory_space<semaphore_mem>>)
        %dma_wait3A_69 = tpu.memref_slice %arg3[%multiple_of3A_62] : memref<320000xi32, #tpu.memory_space<hbm>> -> memref<80xi32, #tpu.memory_space<hbm>>
        %dma_wait3A_70 = tpu.memref_slice %arg3[%multiple_of3A_62] : memref<320000xi32, #tpu.memory_space<hbm>> -> memref<80xi32, #tpu.memory_space<hbm>>
        tpu.wait_dma2 semaphore(%run_scoped3A : memref<!tpu.dma_semaphore, #tpu.memory_space<semaphore_mem>>) src(%dma_wait3A_70 : memref<80xi32, #tpu.memory_space<hbm>>) dst(%arg7 : memref<80xi32, #tpu.memory_space<vmem>>)
        tpu.yield
      }) : () -> ()
      "tpu.region"() ({
        %run_scoped3A = tpu.sem_alloc : memref<!tpu.dma_semaphore, #tpu.memory_space<semaphore_mem>>
        %dma_start3A_67 = tpu.memref_slice %arg4[%multiple_of3A_62] : memref<320000xi32, #tpu.memory_space<hbm>> -> memref<80xi32, #tpu.memory_space<hbm>>
        %dma_start3A_68 = tpu.memref_slice %arg4[%multiple_of3A_62] : memref<320000xi32, #tpu.memory_space<hbm>> -> memref<80xi32, #tpu.memory_space<hbm>>
        tpu.enqueue_dma source(%dma_start3A_68 : memref<80xi32, #tpu.memory_space<hbm>>) target(%arg8 : memref<80xi32, #tpu.memory_space<vmem>>) target_semaphore(%run_scoped3A : memref<!tpu.dma_semaphore, #tpu.memory_space<semaphore_mem>>)
        %dma_wait3A_69 = tpu.memref_slice %arg4[%multiple_of3A_62] : memref<320000xi32, #tpu.memory_space<hbm>> -> memref<80xi32, #tpu.memory_space<hbm>>
        %dma_wait3A_70 = tpu.memref_slice %arg4[%multiple_of3A_62] : memref<320000xi32, #tpu.memory_space<hbm>> -> memref<80xi32, #tpu.memory_space<hbm>>
        tpu.wait_dma2 semaphore(%run_scoped3A : memref<!tpu.dma_semaphore, #tpu.memory_space<semaphore_mem>>) src(%dma_wait3A_70 : memref<80xi32, #tpu.memory_space<hbm>>) dst(%arg8 : memref<80xi32, #tpu.memory_space<vmem>>)
        tpu.yield
      }) : () -> ()
      %dma_start3A = arith.constant 0 : i32
      %dma_start3A_63 = arith.constant 0 : i32
      %dma_start3A_64 = tpu.memref_slice %arg2[%dma_start3A, %dma_start3A_63] : memref<10000x128xf32, #tpu.memory_space<hbm>> -> memref<10000x128xf32, #tpu.memory_space<hbm>>
      tpu.enqueue_indirect_dma source(%dma_start3A_64 : memref<10000x128xf32, #tpu.memory_space<hbm>>) target(%arg9 : memref<80x128xf32, #tpu.memory_space<vmem>>) offsets(%arg7 : memref<80xi32, #tpu.memory_space<vmem>>) semaphore(%arg12 : memref<!tpu.dma_semaphore, #tpu.memory_space<semaphore_mem>>)
      %dma_wait3A = arith.constant 0 : i32
      %dma_wait3A_65 = arith.constant 0 : i32
      %dma_wait3A_66 = tpu.memref_slice %arg2[%dma_wait3A, %dma_wait3A_65] : memref<10000x128xf32, #tpu.memory_space<hbm>> -> memref<10000x128xf32, #tpu.memory_space<hbm>>
      tpu.wait_indirect_dma semaphore(%arg12 : memref<!tpu.dma_semaphore, #tpu.memory_space<semaphore_mem>>) src(%dma_wait3A_66 : memref<10000x128xf32, #tpu.memory_space<hbm>>) dst(%arg9 : memref<80x128xf32, #tpu.memory_space<vmem>>)
      "tpu.region"() ({
        %run_scoped3A = tpu.sem_alloc : memref<!tpu.dma_semaphore, #tpu.memory_space<semaphore_mem>>
        %dma_start3A_67 = arith.constant 0 : i32
        %dma_start3A_68 = arith.constant 0 : i32
        %dma_start3A_69 = tpu.memref_slice %arg11[%dma_start3A_67, %dma_start3A_68] : memref<10240x128xf32, #tpu.memory_space<vmem_shared>> -> memref<10240x128xf32, #tpu.memory_space<vmem_shared>>
        tpu.enqueue_indirect_dma source(%arg9 : memref<80x128xf32, #tpu.memory_space<vmem>>) target(%dma_start3A_69 : memref<10240x128xf32, #tpu.memory_space<vmem_shared>>) offsets(%arg8 : memref<80xi32, #tpu.memory_space<vmem>>) semaphore(%run_scoped3A : memref<!tpu.dma_semaphore, #tpu.memory_space<semaphore_mem>>) {add = true}
        %dma_wait3A_70 = arith.constant 0 : i32
        %dma_wait3A_71 = arith.constant 0 : i32
        %dma_wait3A_72 = tpu.memref_slice %arg11[%dma_wait3A_70, %dma_wait3A_71] : memref<10240x128xf32, #tpu.memory_space<vmem_shared>> -> memref<10240x128xf32, #tpu.memory_space<vmem_shared>>
        tpu.wait_indirect_dma semaphore(%run_scoped3A : memref<!tpu.dma_semaphore, #tpu.memory_space<semaphore_mem>>) src(%arg9 : memref<80x128xf32, #tpu.memory_space<vmem>>) dst(%dma_wait3A_72 : memref<10240x128xf32, #tpu.memory_space<vmem_shared>>)
        tpu.yield
      }) : () -> ()
    }
    %scan3A_29 = arith.constant 125 : i32
    %barrier3A_30 = arith.constant 0 : index
    tpu.barrier barrier_id(%barrier3A_30)
    %mul3A_31 = arith.constant 640 : i32
    %mul3A_32 = arith.muli %arg1, %mul3A_31 : i32
    %add3A_33 = arith.constant 0 : i32
    %add3A_34 = arith.addi %mul3A_32, %add3A_33 : i32
    %multiple_of3A_35 = tpu.assume_multiple %add3A_34, 128 : i32
    "tpu.region"() ({
      %run_scoped3A = tpu.sem_alloc : memref<!tpu.dma_semaphore, #tpu.memory_space<semaphore_mem>>
      %dma_start3A = arith.constant 0 : i32
      %dma_start3A_56 = tpu.memref_slice %arg11[%multiple_of3A_35, %dma_start3A] : memref<10240x128xf32, #tpu.memory_space<vmem_shared>> -> memref<128x128xf32, #tpu.memory_space<vmem_shared>>
      %dma_start3A_57 = arith.constant 0 : i32
      %dma_start3A_58 = tpu.memref_slice %arg11[%multiple_of3A_35, %dma_start3A_57] : memref<10240x128xf32, #tpu.memory_space<vmem_shared>> -> memref<128x128xf32, #tpu.memory_space<vmem_shared>>
      tpu.enqueue_dma source(%dma_start3A_58 : memref<128x128xf32, #tpu.memory_space<vmem_shared>>) target(%arg10 : memref<128x128xf32, #tpu.memory_space<vmem>>) target_semaphore(%run_scoped3A : memref<!tpu.dma_semaphore, #tpu.memory_space<semaphore_mem>>)
      %dma_wait3A = arith.constant 0 : i32
      %dma_wait3A_59 = tpu.memref_slice %arg11[%multiple_of3A_35, %dma_wait3A] : memref<10240x128xf32, #tpu.memory_space<vmem_shared>> -> memref<128x128xf32, #tpu.memory_space<vmem_shared>>
      %dma_wait3A_60 = arith.constant 0 : i32
      %dma_wait3A_61 = tpu.memref_slice %arg11[%multiple_of3A_35, %dma_wait3A_60] : memref<10240x128xf32, #tpu.memory_space<vmem_shared>> -> memref<128x128xf32, #tpu.memory_space<vmem_shared>>
      tpu.wait_dma2 semaphore(%run_scoped3A : memref<!tpu.dma_semaphore, #tpu.memory_space<semaphore_mem>>) src(%dma_wait3A_61 : memref<128x128xf32, #tpu.memory_space<vmem_shared>>) dst(%arg10 : memref<128x128xf32, #tpu.memory_space<vmem>>)
      tpu.yield
    }) : () -> ()
    "tpu.region"() ({
      %run_scoped3A = tpu.sem_alloc : memref<!tpu.dma_semaphore, #tpu.memory_space<semaphore_mem>>
      %dma_start3A = arith.constant 0 : i32
      %dma_start3A_56 = tpu.memref_slice %arg6[%arg0, %multiple_of3A_35, %dma_start3A] : memref<2x10240x128xf32, #tpu.memory_space<hbm>> -> memref<1x128x128xf32, #tpu.memory_space<hbm>>
      %dma_start3A_57 = tpu.memref_squeeze %dma_start3A_56 : memref<1x128x128xf32, #tpu.memory_space<hbm>> -> memref<128x128xf32, #tpu.memory_space<hbm>>
      %dma_start3A_58 = arith.constant 0 : i32
      %dma_start3A_59 = tpu.memref_slice %arg6[%arg0, %multiple_of3A_35, %dma_start3A_58] : memref<2x10240x128xf32, #tpu.memory_space<hbm>> -> memref<1x128x128xf32, #tpu.memory_space<hbm>>
      %dma_start3A_60 = tpu.memref_squeeze %dma_start3A_59 : memref<1x128x128xf32, #tpu.memory_space<hbm>> -> memref<128x128xf32, #tpu.memory_space<hbm>>
      tpu.enqueue_dma source(%arg10 : memref<128x128xf32, #tpu.memory_space<vmem>>) target(%dma_start3A_60 : memref<128x128xf32, #tpu.memory_space<hbm>>) target_semaphore(%run_scoped3A : memref<!tpu.dma_semaphore, #tpu.memory_space<semaphore_mem>>)
      %dma_wait3A = arith.constant 0 : i32
      %dma_wait3A_61 = tpu.memref_slice %arg6[%arg0, %multiple_of3A_35, %dma_wait3A] : memref<2x10240x128xf32, #tpu.memory_space<hbm>> -> memref<1x128x128xf32, #tpu.memory_space<hbm>>
      %dma_wait3A_62 = tpu.memref_squeeze %dma_wait3A_61 : memref<1x128x128xf32, #tpu.memory_space<hbm>> -> memref<128x128xf32, #tpu.memory_space<hbm>>
      %dma_wait3A_63 = arith.constant 0 : i32
      %dma_wait3A_64 = tpu.memref_slice %arg6[%arg0, %multiple_of3A_35, %dma_wait3A_63] : memref<2x10240x128xf32, #tpu.memory_space<hbm>> -> memref<1x128x128xf32, #tpu.memory_space<hbm>>
      %dma_wait3A_65 = tpu.memref_squeeze %dma_wait3A_64 : memref<1x128x128xf32, #tpu.memory_space<hbm>> -> memref<128x128xf32, #tpu.memory_space<hbm>>
      tpu.wait_dma2 semaphore(%run_scoped3A : memref<!tpu.dma_semaphore, #tpu.memory_space<semaphore_mem>>) src(%arg10 : memref<128x128xf32, #tpu.memory_space<vmem>>) dst(%dma_wait3A_65 : memref<128x128xf32, #tpu.memory_space<hbm>>)
      tpu.yield
    }) : () -> ()
    %mul3A_36 = arith.constant 640 : i32
    %mul3A_37 = arith.muli %arg1, %mul3A_36 : i32
    %add3A_38 = arith.constant 128 : i32
    %add3A_39 = arith.addi %mul3A_37, %add3A_38 : i32
    %multiple_of3A_40 = tpu.assume_multiple %add3A_39, 128 : i32
    "tpu.region"() ({
      %run_scoped3A = tpu.sem_alloc : memref<!tpu.dma_semaphore, #tpu.memory_space<semaphore_mem>>
      %dma_start3A = arith.constant 0 : i32
      %dma_start3A_56 = tpu.memref_slice %arg11[%multiple_of3A_40, %dma_start3A] : memref<10240x128xf32, #tpu.memory_space<vmem_shared>> -> memref<128x128xf32, #tpu.memory_space<vmem_shared>>
      %dma_start3A_57 = arith.constant 0 : i32
      %dma_start3A_58 = tpu.memref_slice %arg11[%multiple_of3A_40, %dma_start3A_57] : memref<10240x128xf32, #tpu.memory_space<vmem_shared>> -> memref<128x128xf32, #tpu.memory_space<vmem_shared>>
      tpu.enqueue_dma source(%dma_start3A_58 : memref<128x128xf32, #tpu.memory_space<vmem_shared>>) target(%arg10 : memref<128x128xf32, #tpu.memory_space<vmem>>) target_semaphore(%run_scoped3A : memref<!tpu.dma_semaphore, #tpu.memory_space<semaphore_mem>>)
      %dma_wait3A = arith.constant 0 : i32
      %dma_wait3A_59 = tpu.memref_slice %arg11[%multiple_of3A_40, %dma_wait3A] : memref<10240x128xf32, #tpu.memory_space<vmem_shared>> -> memref<128x128xf32, #tpu.memory_space<vmem_shared>>
      %dma_wait3A_60 = arith.constant 0 : i32
      %dma_wait3A_61 = tpu.memref_slice %arg11[%multiple_of3A_40, %dma_wait3A_60] : memref<10240x128xf32, #tpu.memory_space<vmem_shared>> -> memref<128x128xf32, #tpu.memory_space<vmem_shared>>
      tpu.wait_dma2 semaphore(%run_scoped3A : memref<!tpu.dma_semaphore, #tpu.memory_space<semaphore_mem>>) src(%dma_wait3A_61 : memref<128x128xf32, #tpu.memory_space<vmem_shared>>) dst(%arg10 : memref<128x128xf32, #tpu.memory_space<vmem>>)
      tpu.yield
    }) : () -> ()
    "tpu.region"() ({
      %run_scoped3A = tpu.sem_alloc : memref<!tpu.dma_semaphore, #tpu.memory_space<semaphore_mem>>
      %dma_start3A = arith.constant 0 : i32
      %dma_start3A_56 = tpu.memref_slice %arg6[%arg0, %multiple_of3A_40, %dma_start3A] : memref<2x10240x128xf32, #tpu.memory_space<hbm>> -> memref<1x128x128xf32, #tpu.memory_space<hbm>>
      %dma_start3A_57 = tpu.memref_squeeze %dma_start3A_56 : memref<1x128x128xf32, #tpu.memory_space<hbm>> -> memref<128x128xf32, #tpu.memory_space<hbm>>
      %dma_start3A_58 = arith.constant 0 : i32
      %dma_start3A_59 = tpu.memref_slice %arg6[%arg0, %multiple_of3A_40, %dma_start3A_58] : memref<2x10240x128xf32, #tpu.memory_space<hbm>> -> memref<1x128x128xf32, #tpu.memory_space<hbm>>
      %dma_start3A_60 = tpu.memref_squeeze %dma_start3A_59 : memref<1x128x128xf32, #tpu.memory_space<hbm>> -> memref<128x128xf32, #tpu.memory_space<hbm>>
      tpu.enqueue_dma source(%arg10 : memref<128x128xf32, #tpu.memory_space<vmem>>) target(%dma_start3A_60 : memref<128x128xf32, #tpu.memory_space<hbm>>) target_semaphore(%run_scoped3A : memref<!tpu.dma_semaphore, #tpu.memory_space<semaphore_mem>>)
      %dma_wait3A = arith.constant 0 : i32
      %dma_wait3A_61 = tpu.memref_slice %arg6[%arg0, %multiple_of3A_40, %dma_wait3A] : memref<2x10240x128xf32, #tpu.memory_space<hbm>> -> memref<1x128x128xf32, #tpu.memory_space<hbm>>
      %dma_wait3A_62 = tpu.memref_squeeze %dma_wait3A_61 : memref<1x128x128xf32, #tpu.memory_space<hbm>> -> memref<128x128xf32, #tpu.memory_space<hbm>>
      %dma_wait3A_63 = arith.constant 0 : i32
      %dma_wait3A_64 = tpu.memref_slice %arg6[%arg0, %multiple_of3A_40, %dma_wait3A_63] : memref<2x10240x128xf32, #tpu.memory_space<hbm>> -> memref<1x128x128xf32, #tpu.memory_space<hbm>>
      %dma_wait3A_65 = tpu.memref_squeeze %dma_wait3A_64 : memref<1x128x128xf32, #tpu.memory_space<hbm>> -> memref<128x128xf32, #tpu.memory_space<hbm>>
      tpu.wait_dma2 semaphore(%run_scoped3A : memref<!tpu.dma_semaphore, #tpu.memory_space<semaphore_mem>>) src(%arg10 : memref<128x128xf32, #tpu.memory_space<vmem>>) dst(%dma_wait3A_65 : memref<128x128xf32, #tpu.memory_space<hbm>>)
      tpu.yield
    }) : () -> ()
    %mul3A_41 = arith.constant 640 : i32
    %mul3A_42 = arith.muli %arg1, %mul3A_41 : i32
    %add3A_43 = arith.constant 256 : i32
    %add3A_44 = arith.addi %mul3A_42, %add3A_43 : i32
    %multiple_of3A_45 = tpu.assume_multiple %add3A_44, 128 : i32
    "tpu.region"() ({
      %run_scoped3A = tpu.sem_alloc : memref<!tpu.dma_semaphore, #tpu.memory_space<semaphore_mem>>
      %dma_start3A = arith.constant 0 : i32
      %dma_start3A_56 = tpu.memref_slice %arg11[%multiple_of3A_45, %dma_start3A] : memref<10240x128xf32, #tpu.memory_space<vmem_shared>> -> memref<128x128xf32, #tpu.memory_space<vmem_shared>>
      %dma_start3A_57 = arith.constant 0 : i32
      %dma_start3A_58 = tpu.memref_slice %arg11[%multiple_of3A_45, %dma_start3A_57] : memref<10240x128xf32, #tpu.memory_space<vmem_shared>> -> memref<128x128xf32, #tpu.memory_space<vmem_shared>>
      tpu.enqueue_dma source(%dma_start3A_58 : memref<128x128xf32, #tpu.memory_space<vmem_shared>>) target(%arg10 : memref<128x128xf32, #tpu.memory_space<vmem>>) target_semaphore(%run_scoped3A : memref<!tpu.dma_semaphore, #tpu.memory_space<semaphore_mem>>)
      %dma_wait3A = arith.constant 0 : i32
      %dma_wait3A_59 = tpu.memref_slice %arg11[%multiple_of3A_45, %dma_wait3A] : memref<10240x128xf32, #tpu.memory_space<vmem_shared>> -> memref<128x128xf32, #tpu.memory_space<vmem_shared>>
      %dma_wait3A_60 = arith.constant 0 : i32
      %dma_wait3A_61 = tpu.memref_slice %arg11[%multiple_of3A_45, %dma_wait3A_60] : memref<10240x128xf32, #tpu.memory_space<vmem_shared>> -> memref<128x128xf32, #tpu.memory_space<vmem_shared>>
      tpu.wait_dma2 semaphore(%run_scoped3A : memref<!tpu.dma_semaphore, #tpu.memory_space<semaphore_mem>>) src(%dma_wait3A_61 : memref<128x128xf32, #tpu.memory_space<vmem_shared>>) dst(%arg10 : memref<128x128xf32, #tpu.memory_space<vmem>>)
      tpu.yield
    }) : () -> ()
    "tpu.region"() ({
      %run_scoped3A = tpu.sem_alloc : memref<!tpu.dma_semaphore, #tpu.memory_space<semaphore_mem>>
      %dma_start3A = arith.constant 0 : i32
      %dma_start3A_56 = tpu.memref_slice %arg6[%arg0, %multiple_of3A_45, %dma_start3A] : memref<2x10240x128xf32, #tpu.memory_space<hbm>> -> memref<1x128x128xf32, #tpu.memory_space<hbm>>
      %dma_start3A_57 = tpu.memref_squeeze %dma_start3A_56 : memref<1x128x128xf32, #tpu.memory_space<hbm>> -> memref<128x128xf32, #tpu.memory_space<hbm>>
      %dma_start3A_58 = arith.constant 0 : i32
      %dma_start3A_59 = tpu.memref_slice %arg6[%arg0, %multiple_of3A_45, %dma_start3A_58] : memref<2x10240x128xf32, #tpu.memory_space<hbm>> -> memref<1x128x128xf32, #tpu.memory_space<hbm>>
      %dma_start3A_60 = tpu.memref_squeeze %dma_start3A_59 : memref<1x128x128xf32, #tpu.memory_space<hbm>> -> memref<128x128xf32, #tpu.memory_space<hbm>>
      tpu.enqueue_dma source(%arg10 : memref<128x128xf32, #tpu.memory_space<vmem>>) target(%dma_start3A_60 : memref<128x128xf32, #tpu.memory_space<hbm>>) target_semaphore(%run_scoped3A : memref<!tpu.dma_semaphore, #tpu.memory_space<semaphore_mem>>)
      %dma_wait3A = arith.constant 0 : i32
      %dma_wait3A_61 = tpu.memref_slice %arg6[%arg0, %multiple_of3A_45, %dma_wait3A] : memref<2x10240x128xf32, #tpu.memory_space<hbm>> -> memref<1x128x128xf32, #tpu.memory_space<hbm>>
      %dma_wait3A_62 = tpu.memref_squeeze %dma_wait3A_61 : memref<1x128x128xf32, #tpu.memory_space<hbm>> -> memref<128x128xf32, #tpu.memory_space<hbm>>
      %dma_wait3A_63 = arith.constant 0 : i32
      %dma_wait3A_64 = tpu.memref_slice %arg6[%arg0, %multiple_of3A_45, %dma_wait3A_63] : memref<2x10240x128xf32, #tpu.memory_space<hbm>> -> memref<1x128x128xf32, #tpu.memory_space<hbm>>
      %dma_wait3A_65 = tpu.memref_squeeze %dma_wait3A_64 : memref<1x128x128xf32, #tpu.memory_space<hbm>> -> memref<128x128xf32, #tpu.memory_space<hbm>>
      tpu.wait_dma2 semaphore(%run_scoped3A : memref<!tpu.dma_semaphore, #tpu.memory_space<semaphore_mem>>) src(%arg10 : memref<128x128xf32, #tpu.memory_space<vmem>>) dst(%dma_wait3A_65 : memref<128x128xf32, #tpu.memory_space<hbm>>)
      tpu.yield
    }) : () -> ()
    %mul3A_46 = arith.constant 640 : i32
    %mul3A_47 = arith.muli %arg1, %mul3A_46 : i32
    %add3A_48 = arith.constant 384 : i32
    %add3A_49 = arith.addi %mul3A_47, %add3A_48 : i32
    %multiple_of3A_50 = tpu.assume_multiple %add3A_49, 128 : i32
    "tpu.region"() ({
      %run_scoped3A = tpu.sem_alloc : memref<!tpu.dma_semaphore, #tpu.memory_space<semaphore_mem>>
      %dma_start3A = arith.constant 0 : i32
      %dma_start3A_56 = tpu.memref_slice %arg11[%multiple_of3A_50, %dma_start3A] : memref<10240x128xf32, #tpu.memory_space<vmem_shared>> -> memref<128x128xf32, #tpu.memory_space<vmem_shared>>
      %dma_start3A_57 = arith.constant 0 : i32
      %dma_start3A_58 = tpu.memref_slice %arg11[%multiple_of3A_50, %dma_start3A_57] : memref<10240x128xf32, #tpu.memory_space<vmem_shared>> -> memref<128x128xf32, #tpu.memory_space<vmem_shared>>
      tpu.enqueue_dma source(%dma_start3A_58 : memref<128x128xf32, #tpu.memory_space<vmem_shared>>) target(%arg10 : memref<128x128xf32, #tpu.memory_space<vmem>>) target_semaphore(%run_scoped3A : memref<!tpu.dma_semaphore, #tpu.memory_space<semaphore_mem>>)
      %dma_wait3A = arith.constant 0 : i32
      %dma_wait3A_59 = tpu.memref_slice %arg11[%multiple_of3A_50, %dma_wait3A] : memref<10240x128xf32, #tpu.memory_space<vmem_shared>> -> memref<128x128xf32, #tpu.memory_space<vmem_shared>>
      %dma_wait3A_60 = arith.constant 0 : i32
      %dma_wait3A_61 = tpu.memref_slice %arg11[%multiple_of3A_50, %dma_wait3A_60] : memref<10240x128xf32, #tpu.memory_space<vmem_shared>> -> memref<128x128xf32, #tpu.memory_space<vmem_shared>>
      tpu.wait_dma2 semaphore(%run_scoped3A : memref<!tpu.dma_semaphore, #tpu.memory_space<semaphore_mem>>) src(%dma_wait3A_61 : memref<128x128xf32, #tpu.memory_space<vmem_shared>>) dst(%arg10 : memref<128x128xf32, #tpu.memory_space<vmem>>)
      tpu.yield
    }) : () -> ()
    "tpu.region"() ({
      %run_scoped3A = tpu.sem_alloc : memref<!tpu.dma_semaphore, #tpu.memory_space<semaphore_mem>>
      %dma_start3A = arith.constant 0 : i32
      %dma_start3A_56 = tpu.memref_slice %arg6[%arg0, %multiple_of3A_50, %dma_start3A] : memref<2x10240x128xf32, #tpu.memory_space<hbm>> -> memref<1x128x128xf32, #tpu.memory_space<hbm>>
      %dma_start3A_57 = tpu.memref_squeeze %dma_start3A_56 : memref<1x128x128xf32, #tpu.memory_space<hbm>> -> memref<128x128xf32, #tpu.memory_space<hbm>>
      %dma_start3A_58 = arith.constant 0 : i32
      %dma_start3A_59 = tpu.memref_slice %arg6[%arg0, %multiple_of3A_50, %dma_start3A_58] : memref<2x10240x128xf32, #tpu.memory_space<hbm>> -> memref<1x128x128xf32, #tpu.memory_space<hbm>>
      %dma_start3A_60 = tpu.memref_squeeze %dma_start3A_59 : memref<1x128x128xf32, #tpu.memory_space<hbm>> -> memref<128x128xf32, #tpu.memory_space<hbm>>
      tpu.enqueue_dma source(%arg10 : memref<128x128xf32, #tpu.memory_space<vmem>>) target(%dma_start3A_60 : memref<128x128xf32, #tpu.memory_space<hbm>>) target_semaphore(%run_scoped3A : memref<!tpu.dma_semaphore, #tpu.memory_space<semaphore_mem>>)
      %dma_wait3A = arith.constant 0 : i32
      %dma_wait3A_61 = tpu.memref_slice %arg6[%arg0, %multiple_of3A_50, %dma_wait3A] : memref<2x10240x128xf32, #tpu.memory_space<hbm>> -> memref<1x128x128xf32, #tpu.memory_space<hbm>>
      %dma_wait3A_62 = tpu.memref_squeeze %dma_wait3A_61 : memref<1x128x128xf32, #tpu.memory_space<hbm>> -> memref<128x128xf32, #tpu.memory_space<hbm>>
      %dma_wait3A_63 = arith.constant 0 : i32
      %dma_wait3A_64 = tpu.memref_slice %arg6[%arg0, %multiple_of3A_50, %dma_wait3A_63] : memref<2x10240x128xf32, #tpu.memory_space<hbm>> -> memref<1x128x128xf32, #tpu.memory_space<hbm>>
      %dma_wait3A_65 = tpu.memref_squeeze %dma_wait3A_64 : memref<1x128x128xf32, #tpu.memory_space<hbm>> -> memref<128x128xf32, #tpu.memory_space<hbm>>
      tpu.wait_dma2 semaphore(%run_scoped3A : memref<!tpu.dma_semaphore, #tpu.memory_space<semaphore_mem>>) src(%arg10 : memref<128x128xf32, #tpu.memory_space<vmem>>) dst(%dma_wait3A_65 : memref<128x128xf32, #tpu.memory_space<hbm>>)
      tpu.yield
    }) : () -> ()
    %mul3A_51 = arith.constant 640 : i32
    %mul3A_52 = arith.muli %arg1, %mul3A_51 : i32
    %add3A_53 = arith.constant 512 : i32
    %add3A_54 = arith.addi %mul3A_52, %add3A_53 : i32
    %multiple_of3A_55 = tpu.assume_multiple %add3A_54, 128 : i32
    "tpu.region"() ({
      %run_scoped3A = tpu.sem_alloc : memref<!tpu.dma_semaphore, #tpu.memory_space<semaphore_mem>>
      %dma_start3A = arith.constant 0 : i32
      %dma_start3A_56 = tpu.memref_slice %arg11[%multiple_of3A_55, %dma_start3A] : memref<10240x128xf32, #tpu.memory_space<vmem_shared>> -> memref<128x128xf32, #tpu.memory_space<vmem_shared>>
      %dma_start3A_57 = arith.constant 0 : i32
      %dma_start3A_58 = tpu.memref_slice %arg11[%multiple_of3A_55, %dma_start3A_57] : memref<10240x128xf32, #tpu.memory_space<vmem_shared>> -> memref<128x128xf32, #tpu.memory_space<vmem_shared>>
      tpu.enqueue_dma source(%dma_start3A_58 : memref<128x128xf32, #tpu.memory_space<vmem_shared>>) target(%arg10 : memref<128x128xf32, #tpu.memory_space<vmem>>) target_semaphore(%run_scoped3A : memref<!tpu.dma_semaphore, #tpu.memory_space<semaphore_mem>>)
      %dma_wait3A = arith.constant 0 : i32
      %dma_wait3A_59 = tpu.memref_slice %arg11[%multiple_of3A_55, %dma_wait3A] : memref<10240x128xf32, #tpu.memory_space<vmem_shared>> -> memref<128x128xf32, #tpu.memory_space<vmem_shared>>
      %dma_wait3A_60 = arith.constant 0 : i32
      %dma_wait3A_61 = tpu.memref_slice %arg11[%multiple_of3A_55, %dma_wait3A_60] : memref<10240x128xf32, #tpu.memory_space<vmem_shared>> -> memref<128x128xf32, #tpu.memory_space<vmem_shared>>
      tpu.wait_dma2 semaphore(%run_scoped3A : memref<!tpu.dma_semaphore, #tpu.memory_space<semaphore_mem>>) src(%dma_wait3A_61 : memref<128x128xf32, #tpu.memory_space<vmem_shared>>) dst(%arg10 : memref<128x128xf32, #tpu.memory_space<vmem>>)
      tpu.yield
    }) : () -> ()
    "tpu.region"() ({
      %run_scoped3A = tpu.sem_alloc : memref<!tpu.dma_semaphore, #tpu.memory_space<semaphore_mem>>
      %dma_start3A = arith.constant 0 : i32
      %dma_start3A_56 = tpu.memref_slice %arg6[%arg0, %multiple_of3A_55, %dma_start3A] : memref<2x10240x128xf32, #tpu.memory_space<hbm>> -> memref<1x128x128xf32, #tpu.memory_space<hbm>>
      %dma_start3A_57 = tpu.memref_squeeze %dma_start3A_56 : memref<1x128x128xf32, #tpu.memory_space<hbm>> -> memref<128x128xf32, #tpu.memory_space<hbm>>
      %dma_start3A_58 = arith.constant 0 : i32
      %dma_start3A_59 = tpu.memref_slice %arg6[%arg0, %multiple_of3A_55, %dma_start3A_58] : memref<2x10240x128xf32, #tpu.memory_space<hbm>> -> memref<1x128x128xf32, #tpu.memory_space<hbm>>
      %dma_start3A_60 = tpu.memref_squeeze %dma_start3A_59 : memref<1x128x128xf32, #tpu.memory_space<hbm>> -> memref<128x128xf32, #tpu.memory_space<hbm>>
      tpu.enqueue_dma source(%arg10 : memref<128x128xf32, #tpu.memory_space<vmem>>) target(%dma_start3A_60 : memref<128x128xf32, #tpu.memory_space<hbm>>) target_semaphore(%run_scoped3A : memref<!tpu.dma_semaphore, #tpu.memory_space<semaphore_mem>>)
      %dma_wait3A = arith.constant 0 : i32
      %dma_wait3A_61 = tpu.memref_slice %arg6[%arg0, %multiple_of3A_55, %dma_wait3A] : memref<2x10240x128xf32, #tpu.memory_space<hbm>> -> memref<1x128x128xf32, #tpu.memory_space<hbm>>
      %dma_wait3A_62 = tpu.memref_squeeze %dma_wait3A_61 : memref<1x128x128xf32, #tpu.memory_space<hbm>> -> memref<128x128xf32, #tpu.memory_space<hbm>>
      %dma_wait3A_63 = arith.constant 0 : i32
      %dma_wait3A_64 = tpu.memref_slice %arg6[%arg0, %multiple_of3A_55, %dma_wait3A_63] : memref<2x10240x128xf32, #tpu.memory_space<hbm>> -> memref<1x128x128xf32, #tpu.memory_space<hbm>>
      %dma_wait3A_65 = tpu.memref_squeeze %dma_wait3A_64 : memref<1x128x128xf32, #tpu.memory_space<hbm>> -> memref<128x128xf32, #tpu.memory_space<hbm>>
      tpu.wait_dma2 semaphore(%run_scoped3A : memref<!tpu.dma_semaphore, #tpu.memory_space<semaphore_mem>>) src(%arg10 : memref<128x128xf32, #tpu.memory_space<vmem>>) dst(%dma_wait3A_65 : memref<128x128xf32, #tpu.memory_space<hbm>>)
      tpu.yield
    }) : () -> ()
    return
  }
}

module attributes {stable_mosaic.version = 14 : i64} {
  func.func @_mm_scale_body(%arg0: i32, %arg1: memref<1000x128xf32, #tpu.memory_space<vmem>>, %arg2: memref<128x128xf32, #tpu.memory_space<vmem>>, %arg3: memref<1000x1xf32, #tpu.memory_space<vmem>>, %arg4: memref<1000x1xf32, #tpu.memory_space<vmem>>, %arg5: memref<1000x128xf32, #tpu.memory_space<vmem>>) attributes {dimension_semantics = [#tpu.dimension_semantics<arbitrary>], iteration_bounds = array<i64: 10>, scalar_prefetch = 0 : i64, scratch_operands = 0 : i64, tpu.core_type = #tpu.core_type<tc>, window_params = [{transform_indices = @transform_0, window_bounds = array<i64: 1000, 128>}, {pipeline_mode = #tpu.pipeline_mode<synchronous>, transform_indices = @transform_1, window_bounds = array<i64: 128, 128>}, {transform_indices = @transform_2, window_bounds = array<i64: 1000, 1>}, {transform_indices = @transform_3, window_bounds = array<i64: 1000, 1>}, {transform_indices = @transform_4, window_bounds = array<i64: 1000, 128>}]} {
    %get3A = arith.constant 0 : index
    %get3A_0 = arith.constant 0 : index
    %get3A_1 = vector.load %arg3[%get3A, %get3A_0] : memref<1000x1xf32, #tpu.memory_space<vmem>>, vector<1000x1xf32>
    %get3A_2 = arith.constant 0 : index
    %get3A_3 = arith.constant 0 : index
    %get3A_4 = vector.load %arg4[%get3A_2, %get3A_3] : memref<1000x1xf32, #tpu.memory_space<vmem>>, vector<1000x1xf32>
    %add3A = arith.addf %get3A_1, %get3A_4 : vector<1000x1xf32>
    %add3A_5 = arith.constant 1.000000e+00 : f32
    %add3A_6 = vector.broadcast %add3A_5 : f32 to vector<1000x1xf32>
    %add3A_7 = arith.addf %add3A, %add3A_6 : vector<1000x1xf32>
    %rsqrt3A = math.rsqrt %add3A_7 : vector<1000x1xf32>
    %get3A_8 = arith.constant 0 : index
    %get3A_9 = arith.constant 0 : index
    %get3A_10 = vector.load %arg1[%get3A_8, %get3A_9] : memref<1000x128xf32, #tpu.memory_space<vmem>>, vector<1000x128xf32>
    %get3A_11 = arith.constant 0 : index
    %get3A_12 = arith.constant 0 : index
    %get3A_13 = vector.load %arg2[%get3A_11, %get3A_12] : memref<128x128xf32, #tpu.memory_space<vmem>>, vector<128x128xf32>
    %dot_general3A = arith.constant dense<0.000000e+00> : vector<1000x128xf32>
    %dot_general3A_14 = tpu.matmul %get3A_10, %get3A_13, %dot_general3A {dimension_numbers = #tpu.dot_dimension_numbers<[1], [0], [0], [1], [0, 0, 1, 1], [], []>, precision = #tpu.contract_precision<fp32>, transpose_lhs_hint = false} : vector<1000x128xf32>, vector<128x128xf32>, vector<1000x128xf32> -> vector<1000x128xf32>
    %mul3A = vector.broadcast %rsqrt3A : vector<1000x1xf32> to vector<1000x128xf32>
    %mul3A_15 = arith.mulf %dot_general3A_14, %mul3A : vector<1000x128xf32>
    %swap3A = arith.constant 0 : index
    %swap3A_16 = arith.constant 0 : index
    %swap3A_17 = vector.load %arg5[%swap3A, %swap3A_16] : memref<1000x128xf32, #tpu.memory_space<vmem>>, vector<1000x128xf32>
    tpu.vector_store %arg5[%swap3A, %swap3A_16], %mul3A_15 {strides = array<i32>} : memref<1000x128xf32, #tpu.memory_space<vmem>>, vector<1000x128xf32>,
    return
  }
  func.func @transform_0(%arg0: i32) -> (i32, i32) {
    %c0_i32 = arith.constant 0 : i32
    %c0_i32_0 = arith.constant 0 : i32
    return %arg0, %c0_i32 : i32, i32
  }
  func.func @transform_1(%arg0: i32) -> (i32, i32) {
    %c0_i32 = arith.constant 0 : i32
    %c0_i32_0 = arith.constant 0 : i32
    %c0_i32_1 = arith.constant 0 : i32
    return %c0_i32, %c0_i32_0 : i32, i32
  }
  func.func @transform_2(%arg0: i32) -> (i32, i32) {
    %c0_i32 = arith.constant 0 : i32
    %c0_i32_0 = arith.constant 0 : i32
    return %arg0, %c0_i32 : i32, i32
  }
  func.func @transform_3(%arg0: i32) -> (i32, i32) {
    %c0_i32 = arith.constant 0 : i32
    %c0_i32_0 = arith.constant 0 : i32
    return %arg0, %c0_i32 : i32, i32
  }
  func.func @transform_4(%arg0: i32) -> (i32, i32) {
    %c0_i32 = arith.constant 0 : i32
    %c0_i32_0 = arith.constant 0 : i32
    return %arg0, %c0_i32 : i32, i32
  }
}

module attributes {stable_mosaic.version = 14 : i64} {
  func.func @_mid_body(%arg0: i32, %arg1: memref<1000x128xf32, #tpu.memory_space<vmem>>, %arg2: memref<1000x128xf32, #tpu.memory_space<vmem>>, %arg3: memref<1000x128xf32, #tpu.memory_space<vmem>>, %arg4: memref<1000x1xf32, #tpu.memory_space<vmem>>, %arg5: memref<1000x1xf32, #tpu.memory_space<vmem>>, %arg6: memref<1x128xf32, #tpu.memory_space<vmem>>, %arg7: memref<128x128xf32, #tpu.memory_space<vmem>>, %arg8: memref<1000x128xf32, #tpu.memory_space<vmem>>) attributes {dimension_semantics = [#tpu.dimension_semantics<arbitrary>], iteration_bounds = array<i64: 10>, scalar_prefetch = 0 : i64, scratch_operands = 0 : i64, tpu.core_type = #tpu.core_type<tc>, window_params = [{transform_indices = @transform_0, window_bounds = array<i64: 1000, 128>}, {transform_indices = @transform_1, window_bounds = array<i64: 1000, 128>}, {transform_indices = @transform_2, window_bounds = array<i64: 1000, 128>}, {transform_indices = @transform_3, window_bounds = array<i64: 1000, 1>}, {transform_indices = @transform_4, window_bounds = array<i64: 1000, 1>}, {pipeline_mode = #tpu.pipeline_mode<synchronous>, transform_indices = @transform_5, window_bounds = array<i64: 1, 128>}, {pipeline_mode = #tpu.pipeline_mode<synchronous>, transform_indices = @transform_6, window_bounds = array<i64: 128, 128>}, {transform_indices = @transform_7, window_bounds = array<i64: 1000, 128>}]} {
    %get3A = arith.constant 0 : index
    %get3A_0 = arith.constant 0 : index
    %get3A_1 = vector.load %arg4[%get3A, %get3A_0] : memref<1000x1xf32, #tpu.memory_space<vmem>>, vector<1000x1xf32>
    %get3A_2 = arith.constant 0 : index
    %get3A_3 = arith.constant 0 : index
    %get3A_4 = vector.load %arg5[%get3A_2, %get3A_3] : memref<1000x1xf32, #tpu.memory_space<vmem>>, vector<1000x1xf32>
    %add3A = arith.addf %get3A_1, %get3A_4 : vector<1000x1xf32>
    %add3A_5 = arith.constant 1.000000e+00 : f32
    %add3A_6 = vector.broadcast %add3A_5 : f32 to vector<1000x1xf32>
    %add3A_7 = arith.addf %add3A, %add3A_6 : vector<1000x1xf32>
    %rsqrt3A = math.rsqrt %add3A_7 : vector<1000x1xf32>
    %get3A_8 = arith.constant 0 : index
    %get3A_9 = arith.constant 0 : index
    %get3A_10 = vector.load %arg1[%get3A_8, %get3A_9] : memref<1000x128xf32, #tpu.memory_space<vmem>>, vector<1000x128xf32>
    %get3A_11 = arith.constant 0 : index
    %get3A_12 = arith.constant 0 : index
    %get3A_13 = vector.load %arg2[%get3A_11, %get3A_12] : memref<1000x128xf32, #tpu.memory_space<vmem>>, vector<1000x128xf32>
    %add3A_14 = arith.addf %get3A_10, %get3A_13 : vector<1000x128xf32>
    %get3A_15 = arith.constant 0 : index
    %get3A_16 = arith.constant 0 : index
    %get3A_17 = vector.load %arg3[%get3A_15, %get3A_16] : memref<1000x128xf32, #tpu.memory_space<vmem>>, vector<1000x128xf32>
    %add3A_18 = arith.addf %add3A_14, %get3A_17 : vector<1000x128xf32>
    %mul3A = vector.broadcast %rsqrt3A : vector<1000x1xf32> to vector<1000x128xf32>
    %mul3A_19 = arith.mulf %add3A_18, %mul3A : vector<1000x128xf32>
    %get3A_20 = arith.constant 0 : index
    %get3A_21 = arith.constant 0 : index
    %get3A_22 = vector.load %arg6[%get3A_20, %get3A_21] : memref<1x128xf32, #tpu.memory_space<vmem>>, vector<1x128xf32>
    %add3A_23 = vector.broadcast %get3A_22 : vector<1x128xf32> to vector<1000x128xf32>
    %add3A_24 = arith.addf %mul3A_19, %add3A_23 : vector<1000x128xf32>
    %max3A = arith.constant 0.000000e+00 : f32
    %max3A_25 = vector.broadcast %max3A : f32 to vector<1000x128xf32>
    %max3A_26 = arith.maximumf %add3A_24, %max3A_25 : vector<1000x128xf32>
    %get3A_27 = arith.constant 0 : index
    %get3A_28 = arith.constant 0 : index
    %get3A_29 = vector.load %arg7[%get3A_27, %get3A_28] : memref<128x128xf32, #tpu.memory_space<vmem>>, vector<128x128xf32>
    %dot_general3A = arith.constant dense<0.000000e+00> : vector<1000x128xf32>
    %dot_general3A_30 = tpu.matmul %max3A_26, %get3A_29, %dot_general3A {dimension_numbers = #tpu.dot_dimension_numbers<[1], [0], [0], [1], [0, 0, 1, 1], [], []>, precision = #tpu.contract_precision<fp32>, transpose_lhs_hint = false} : vector<1000x128xf32>, vector<128x128xf32>, vector<1000x128xf32> -> vector<1000x128xf32>
    %mul3A_31 = vector.broadcast %rsqrt3A : vector<1000x1xf32> to vector<1000x128xf32>
    %mul3A_32 = arith.mulf %dot_general3A_30, %mul3A_31 : vector<1000x128xf32>
    %swap3A = arith.constant 0 : index
    %swap3A_33 = arith.constant 0 : index
    %swap3A_34 = vector.load %arg8[%swap3A, %swap3A_33] : memref<1000x128xf32, #tpu.memory_space<vmem>>, vector<1000x128xf32>
    tpu.vector_store %arg8[%swap3A, %swap3A_33], %mul3A_32 {strides = array<i32>} : memref<1000x128xf32, #tpu.memory_space<vmem>>, vector<1000x128xf32>,
    return
  }
  func.func @transform_0(%arg0: i32) -> (i32, i32) {
    %c0_i32 = arith.constant 0 : i32
    %c0_i32_0 = arith.constant 0 : i32
    return %arg0, %c0_i32 : i32, i32
  }
  func.func @transform_1(%arg0: i32) -> (i32, i32) {
    %c0_i32 = arith.constant 0 : i32
    %c0_i32_0 = arith.constant 0 : i32
    return %arg0, %c0_i32 : i32, i32
  }
  func.func @transform_2(%arg0: i32) -> (i32, i32) {
    %c0_i32 = arith.constant 0 : i32
    %c0_i32_0 = arith.constant 0 : i32
    return %arg0, %c0_i32 : i32, i32
  }
  func.func @transform_3(%arg0: i32) -> (i32, i32) {
    %c0_i32 = arith.constant 0 : i32
    %c0_i32_0 = arith.constant 0 : i32
    return %arg0, %c0_i32 : i32, i32
  }
  func.func @transform_4(%arg0: i32) -> (i32, i32) {
    %c0_i32 = arith.constant 0 : i32
    %c0_i32_0 = arith.constant 0 : i32
    return %arg0, %c0_i32 : i32, i32
  }
  func.func @transform_5(%arg0: i32) -> (i32, i32) {
    %c0_i32 = arith.constant 0 : i32
    %c0_i32_0 = arith.constant 0 : i32
    %c0_i32_1 = arith.constant 0 : i32
    return %c0_i32, %c0_i32_0 : i32, i32
  }
  func.func @transform_6(%arg0: i32) -> (i32, i32) {
    %c0_i32 = arith.constant 0 : i32
    %c0_i32_0 = arith.constant 0 : i32
    %c0_i32_1 = arith.constant 0 : i32
    return %c0_i32, %c0_i32_0 : i32, i32
  }
  func.func @transform_7(%arg0: i32) -> (i32, i32) {
    %c0_i32 = arith.constant 0 : i32
    %c0_i32_0 = arith.constant 0 : i32
    return %arg0, %c0_i32 : i32, i32
  }
}

module attributes {stable_mosaic.version = 14 : i64} {
  func.func @_head_body(%arg0: i32, %arg1: memref<1000x128xf32, #tpu.memory_space<vmem>>, %arg2: memref<1000x128xf32, #tpu.memory_space<vmem>>, %arg3: memref<1000x128xf32, #tpu.memory_space<vmem>>, %arg4: memref<1000x1xf32, #tpu.memory_space<vmem>>, %arg5: memref<1000x1xf32, #tpu.memory_space<vmem>>, %arg6: memref<1x128xf32, #tpu.memory_space<vmem>>, %arg7: memref<128x40xf32, #tpu.memory_space<vmem>>, %arg8: memref<1x40xf32, #tpu.memory_space<vmem>>, %arg9: memref<1000x128xf32, #tpu.memory_space<vmem>>, %arg10: memref<1000x40xf32, #tpu.memory_space<vmem>>) attributes {dimension_semantics = [#tpu.dimension_semantics<arbitrary>], iteration_bounds = array<i64: 10>, scalar_prefetch = 0 : i64, scratch_operands = 0 : i64, tpu.core_type = #tpu.core_type<tc>, window_params = [{transform_indices = @transform_0, window_bounds = array<i64: 1000, 128>}, {transform_indices = @transform_1, window_bounds = array<i64: 1000, 128>}, {transform_indices = @transform_2, window_bounds = array<i64: 1000, 128>}, {transform_indices = @transform_3, window_bounds = array<i64: 1000, 1>}, {transform_indices = @transform_4, window_bounds = array<i64: 1000, 1>}, {pipeline_mode = #tpu.pipeline_mode<synchronous>, transform_indices = @transform_5, window_bounds = array<i64: 1, 128>}, {pipeline_mode = #tpu.pipeline_mode<synchronous>, transform_indices = @transform_6, window_bounds = array<i64: 128, 40>}, {pipeline_mode = #tpu.pipeline_mode<synchronous>, transform_indices = @transform_7, window_bounds = array<i64: 1, 40>}, {transform_indices = @transform_8, window_bounds = array<i64: 1000, 128>}, {transform_indices = @transform_9, window_bounds = array<i64: 1000, 40>}]} {
    %get3A = arith.constant 0 : index
    %get3A_0 = arith.constant 0 : index
    %get3A_1 = vector.load %arg4[%get3A, %get3A_0] : memref<1000x1xf32, #tpu.memory_space<vmem>>, vector<1000x1xf32>
    %get3A_2 = arith.constant 0 : index
    %get3A_3 = arith.constant 0 : index
    %get3A_4 = vector.load %arg5[%get3A_2, %get3A_3] : memref<1000x1xf32, #tpu.memory_space<vmem>>, vector<1000x1xf32>
    %add3A = arith.addf %get3A_1, %get3A_4 : vector<1000x1xf32>
    %add3A_5 = arith.constant 1.000000e+00 : f32
    %add3A_6 = vector.broadcast %add3A_5 : f32 to vector<1000x1xf32>
    %add3A_7 = arith.addf %add3A, %add3A_6 : vector<1000x1xf32>
    %rsqrt3A = math.rsqrt %add3A_7 : vector<1000x1xf32>
    %get3A_8 = arith.constant 0 : index
    %get3A_9 = arith.constant 0 : index
    %get3A_10 = vector.load %arg1[%get3A_8, %get3A_9] : memref<1000x128xf32, #tpu.memory_space<vmem>>, vector<1000x128xf32>
    %get3A_11 = arith.constant 0 : index
    %get3A_12 = arith.constant 0 : index
    %get3A_13 = vector.load %arg2[%get3A_11, %get3A_12] : memref<1000x128xf32, #tpu.memory_space<vmem>>, vector<1000x128xf32>
    %add3A_14 = arith.addf %get3A_10, %get3A_13 : vector<1000x128xf32>
    %get3A_15 = arith.constant 0 : index
    %get3A_16 = arith.constant 0 : index
    %get3A_17 = vector.load %arg3[%get3A_15, %get3A_16] : memref<1000x128xf32, #tpu.memory_space<vmem>>, vector<1000x128xf32>
    %add3A_18 = arith.addf %add3A_14, %get3A_17 : vector<1000x128xf32>
    %mul3A = vector.broadcast %rsqrt3A : vector<1000x1xf32> to vector<1000x128xf32>
    %mul3A_19 = arith.mulf %add3A_18, %mul3A : vector<1000x128xf32>
    %get3A_20 = arith.constant 0 : index
    %get3A_21 = arith.constant 0 : index
    %get3A_22 = vector.load %arg6[%get3A_20, %get3A_21] : memref<1x128xf32, #tpu.memory_space<vmem>>, vector<1x128xf32>
    %add3A_23 = vector.broadcast %get3A_22 : vector<1x128xf32> to vector<1000x128xf32>
    %add3A_24 = arith.addf %mul3A_19, %add3A_23 : vector<1000x128xf32>
    %max3A = arith.constant 0.000000e+00 : f32
    %max3A_25 = vector.broadcast %max3A : f32 to vector<1000x128xf32>
    %max3A_26 = arith.maximumf %add3A_24, %max3A_25 : vector<1000x128xf32>
    %swap3A = arith.constant 0 : index
    %swap3A_27 = arith.constant 0 : index
    %swap3A_28 = vector.load %arg9[%swap3A, %swap3A_27] : memref<1000x128xf32, #tpu.memory_space<vmem>>, vector<1000x128xf32>
    tpu.vector_store %arg9[%swap3A, %swap3A_27], %max3A_26 {strides = array<i32>} : memref<1000x128xf32, #tpu.memory_space<vmem>>, vector<1000x128xf32>,
    %get3A_29 = arith.constant 0 : index
    %get3A_30 = arith.constant 0 : index
    %get3A_31 = vector.load %arg7[%get3A_29, %get3A_30] : memref<128x40xf32, #tpu.memory_space<vmem>>, vector<128x40xf32>
    %dot_general3A = arith.constant dense<0.000000e+00> : vector<1000x40xf32>
    %dot_general3A_32 = tpu.matmul %max3A_26, %get3A_31, %dot_general3A {dimension_numbers = #tpu.dot_dimension_numbers<[1], [0], [0], [1], [0, 0, 1, 1], [], []>, precision = #tpu.contract_precision<fp32>, transpose_lhs_hint = false} : vector<1000x128xf32>, vector<128x40xf32>, vector<1000x40xf32> -> vector<1000x40xf32>
    %get3A_33 = arith.constant 0 : index
    %get3A_34 = arith.constant 0 : index
    %get3A_35 = vector.load %arg8[%get3A_33, %get3A_34] : memref<1x40xf32, #tpu.memory_space<vmem>>, vector<1x40xf32>
    %add3A_36 = vector.broadcast %get3A_35 : vector<1x40xf32> to vector<1000x40xf32>
    %add3A_37 = arith.addf %dot_general3A_32, %add3A_36 : vector<1000x40xf32>
    %reduce_max3A = arith.constant dense<0xFF800000> : vector<1000xf32>
    %reduce_max3A_38 = vector.multi_reduction <maximumf>, %add3A_37, %reduce_max3A [1] : vector<1000x40xf32> to vector<1000xf32>
    %broadcast_in_dim3A = vector.shape_cast %reduce_max3A_38 : vector<1000xf32> to vector<1000x1xf32>
    %sub3A = vector.broadcast %broadcast_in_dim3A : vector<1000x1xf32> to vector<1000x40xf32>
    %sub3A_39 = arith.subf %add3A_37, %sub3A : vector<1000x40xf32>
    %exp3A = math.exp %sub3A_39 : vector<1000x40xf32>
    %reduce_sum3A = arith.constant dense<0.000000e+00> : vector<1000xf32>
    %reduce_sum3A_40 = vector.multi_reduction <add>, %exp3A, %reduce_sum3A [1] : vector<1000x40xf32> to vector<1000xf32>
    %broadcast_in_dim3A_41 = vector.shape_cast %reduce_sum3A_40 : vector<1000xf32> to vector<1000x1xf32>
    %log3A = math.log %broadcast_in_dim3A_41 : vector<1000x1xf32>
    %add3A_42 = arith.addf %log3A, %broadcast_in_dim3A : vector<1000x1xf32>
    %sub3A_43 = vector.broadcast %add3A_42 : vector<1000x1xf32> to vector<1000x40xf32>
    %sub3A_44 = arith.subf %add3A_37, %sub3A_43 : vector<1000x40xf32>
    %swap3A_45 = arith.constant 0 : index
    %swap3A_46 = arith.constant 0 : index
    %swap3A_47 = vector.load %arg10[%swap3A_45, %swap3A_46] : memref<1000x40xf32, #tpu.memory_space<vmem>>, vector<1000x40xf32>
    tpu.vector_store %arg10[%swap3A_45, %swap3A_46], %sub3A_44 {strides = array<i32>} : memref<1000x40xf32, #tpu.memory_space<vmem>>, vector<1000x40xf32>,
    return
  }
  func.func @transform_0(%arg0: i32) -> (i32, i32) {
    %c0_i32 = arith.constant 0 : i32
    %c0_i32_0 = arith.constant 0 : i32
    return %arg0, %c0_i32 : i32, i32
  }
  func.func @transform_1(%arg0: i32) -> (i32, i32) {
    %c0_i32 = arith.constant 0 : i32
    %c0_i32_0 = arith.constant 0 : i32
    return %arg0, %c0_i32 : i32, i32
  }
  func.func @transform_2(%arg0: i32) -> (i32, i32) {
    %c0_i32 = arith.constant 0 : i32
    %c0_i32_0 = arith.constant 0 : i32
    return %arg0, %c0_i32 : i32, i32
  }
  func.func @transform_3(%arg0: i32) -> (i32, i32) {
    %c0_i32 = arith.constant 0 : i32
    %c0_i32_0 = arith.constant 0 : i32
    return %arg0, %c0_i32 : i32, i32
  }
  func.func @transform_4(%arg0: i32) -> (i32, i32) {
    %c0_i32 = arith.constant 0 : i32
    %c0_i32_0 = arith.constant 0 : i32
    return %arg0, %c0_i32 : i32, i32
  }
  func.func @transform_5(%arg0: i32) -> (i32, i32) {
    %c0_i32 = arith.constant 0 : i32
    %c0_i32_0 = arith.constant 0 : i32
    %c0_i32_1 = arith.constant 0 : i32
    return %c0_i32, %c0_i32_0 : i32, i32
  }
  func.func @transform_6(%arg0: i32) -> (i32, i32) {
    %c0_i32 = arith.constant 0 : i32
    %c0_i32_0 = arith.constant 0 : i32
    %c0_i32_1 = arith.constant 0 : i32
    return %c0_i32, %c0_i32_0 : i32, i32
  }
  func.func @transform_7(%arg0: i32) -> (i32, i32) {
    %c0_i32 = arith.constant 0 : i32
    %c0_i32_0 = arith.constant 0 : i32
    %c0_i32_1 = arith.constant 0 : i32
    return %c0_i32, %c0_i32_0 : i32, i32
  }
  func.func @transform_8(%arg0: i32) -> (i32, i32) {
    %c0_i32 = arith.constant 0 : i32
    %c0_i32_0 = arith.constant 0 : i32
    return %arg0, %c0_i32 : i32, i32
  }
  func.func @transform_9(%arg0: i32) -> (i32, i32) {
    %c0_i32 = arith.constant 0 : i32
    %c0_i32_0 = arith.constant 0 : i32
    return %arg0, %c0_i32 : i32, i32
  }
}

</mosaic_0001>

<sc_bundles>
// kernel: kernel.11.cloned.1.call-start
scs
__scs_entry_jumppad:
0x0: {  	(pc) =	sbr.rel $0x88, $3  }
0x1: {  	(tag) =	ssettag $0x0;
	lr =	simm.s32 $0x1  }
0x2: {  	[smem:$0x3F99] =	sst lr;
	_ =	strace $0xD0000000  }
0x3: {  	_ = 	snop  }
0x4: {  	_ = 	snop  }
0x5: {  	_ = 	snop  }
0x6: {  	_ = 	snop  }
0x7: {  	_ = 	snop  }
__scs_overlays_trampoline_lowered:
0x8: {  	[smem:$0x3FA8] =	sst s0  }
0x9: {  	[smem:$0x3FA9] =	sst s1  }
0xa: {  	[smem:$0x3FAA] =	sst s2  }
0xb: {  	[smem:$0x3FAB] =	sst s3  }
0xc: {  	[smem:$0x3FAC] =	sst s4  }
0xd: {  	[smem:$0x3FAD] =	sst s5  }
0xe: {  	[smem:$0x3FAE] =	sst s6  }
0xf: {  	[smem:$0x3FAF] =	sst s7  }
0x10: {  	[smem:$0x3FB0] =	sst s8  }
0x11: {  	[smem:$0x3FB1] =	sst s9;
	s0 =	simm.s32 @!p0 $0x0  }
0x12: {  	s1 =	sld [smem:$0x3F97];
	s0 =	simm.s32 @p0 $0x1  }
0x13: {  	[smem:$0x3FB2] =	sst s0;
	s0 =	simm.s32 @!p1 $0x0  }
0x14: {  	s2 =	sld [smem:$0x3F96];
	s0 =	simm.s32 @p1 $0x1  }
0x15: {  	[smem:$0x3FB3] =	sst s0;
	s0 =	simm.s32 @!p2 $0x0  }
0x16: {  	s3 =	sld [smem:$0x3FDB];
	s0 =	simm.s32 @p2 $0x1  }
0x17: {  	s4 =	simm.s32 $0x1BF5;
	[smem:$0x3FB5] =	sst s0  }
0x18: {  	s0 =	sld [smem:$0x3F98];
	_ =	swait.ge [sflag:s4], $0x0  }
0x19: {  	s7 =	sld [smem:$0x3F99]  }
0x1a: {  	s8 =	sadd.s32 $0xFFFFE003, lr  }
0x1b: {  	s9 =	sadd.s32 $0xFFFFFEF7, lr;
	s5 =	simm.s32 $0xFFFFFFFF;
	p2 =	slt.u32 s8, $0xFFFFF086  }
0x1c: {  	p1 =	slt.u32 s9, $0xF7A;
	s5 =	simm.s32 @!p2 $0x0  }
0x1d: {  	s5 =	simm.s32 @p1 $0x1;
	p0 =	seq.s32 s7, s2  }
0x1e: {  	s7 =	smul.u32 @!p0 $0xF7A, s2;
	p2 =	seq.s32 @!p0 s5, $0x0  }
0x1f: {  	s9 =	smul.u32 $0xF7A, s1;
	s8 =	simm.s32 @!p0 $0x1BF5;
	p2 =	por !p2, p0  }
0x20: {  	[sflag:s8] =	ssyncset.s32 @!p0 $0xFFFFF086;
	s6 =	sadd.s32 @!p0 s3, s7;
	s7 =	simm.s32 @!p0 $0x108  }
0x21: {  	s3 =	sadd.s32 s3, s9;
	s6 =	sadd.s32 @!p0 $0x88, s6;
	s7 =	simm.s32 @p2 $0x1082  }
0x22: {  	[simem:s7], [sflag:s8] =	dma.local @!p0 [hbm:s6], $0xF7A  }
0x23: {  	s9 =	sor.u32 $0xD0000000, s2;
	s6 =	simm.s32 $0x108;
	_ =	swait.ge @!p0 [sflag:s8], $0x0  }
0x24: {  	s3 =	sadd.s32 $0x88, s3;
	s6 =	simm.s32 @!p1 $0x1082;
	[sflag:s4] =	ssyncset.s32 $0xFFFFF086  }
0x25: {  	[simem:s6], [sflag:s4] =	dma.local [hbm:s3], $0xF7A  }
0x26: {  	[smem:$0x3F99] =	sst s1;
	(tag) =	ssettag s2;
	_ =	strace s9  }
0x27: {  	s1 =	sld [smem:$0x3FA9]  }
0x28: {  	s2 =	sld [smem:$0x3FAA]  }
0x29: {  	s4 =	sld [smem:$0x3FAC]  }
0x2a: {  	p0 =	seq.s32 s5, $0x0;
	s5 =	sld [smem:$0x3FAD]  }
0x2b: {  	s6 =	sld [smem:$0x3FAE]  }
0x2c: {  	s7 =	sld [smem:$0x3FAF]  }
0x2d: {  	s3 =	simm.s32 $0x108;
	s8 =	sld [smem:$0x3FB0]  }
0x2e: {  	s3 =	simm.s32 @!p0 $0x1082;
	s9 =	sld [smem:$0x3FB1]  }
0x2f: {  	lr =	sadd.s32 s0, s3;
	s0 =	sld [smem:$0x3FA8]  }
0x30: {  	s3 =	sld [smem:$0x3FAB]  }
0x31: {  	[smem:$0x3FB4] =	sst s10  }
0x32: {  	s10 =	sld [smem:$0x3FB2];
	_ =	sdelay $0x3  }
0x33: {  	p0 =	seq.s32 s10, $0x1;
	s10 =	sld [smem:$0x3FB4];
	_ =	sdelay $0x3  }
0x34: {  	[smem:$0x3FB4] =	sst s10  }
0x35: {  	s10 =	sld [smem:$0x3FB3];
	_ =	sdelay $0x3  }
0x36: {  	p1 =	seq.s32 s10, $0x1;
	s10 =	sld [smem:$0x3FB4];
	_ =	sdelay $0x3  }
0x37: {  	[smem:$0x3FB4] =	sst s10  }
0x38: {  	s10 =	sld [smem:$0x3FB5]  }
0x39: {  	_ = 	snop;
	(pc) =	sbr.ind lr, $3  }
0x3a: {  	_ = 	snop  }
0x3b: {  	_ = 	snop  }
0x3c: {  	p2 =	seq.s32 s10, $0x1;
	s10 =	sld [smem:$0x3FB4]  }
0x3d: {  	_ =	shalt  }
0x3e: {  	_ =	shalt  }
0x3f: {  	_ =	shalt  }
0x40: {  	_ =	shalt  }
0x41: {  	_ =	shalt  }
0x42: {  	_ =	shalt  }
0x43: {  	_ =	shalt  }
0x44: {  	_ =	shalt  }
0x45: {  	_ =	shalt  }
0x46: {  	_ =	shalt  }
0x47: {  	_ =	shalt  }
0x48: {  	_ =	shalt  }
0x49: {  	_ =	shalt  }
0x4a: {  	_ =	shalt  }
0x4b: {  	_ =	shalt  }
0x4c: {  	_ =	shalt  }
0x4d: {  	_ =	shalt  }
0x4e: {  	_ =	shalt  }
0x4f: {  	_ =	shalt  }
0x50: {  	_ =	shalt  }
0x51: {  	_ =	shalt  }
0x52: {  	_ =	shalt  }
0x53: {  	_ =	shalt  }
0x54: {  	_ =	shalt  }
0x55: {  	_ =	shalt  }
0x56: {  	_ =	shalt  }
0x57: {  	_ =	shalt  }
0x58: {  	_ =	shalt  }
0x59: {  	_ =	shalt  }
0x5a: {  	_ =	shalt  }
0x5b: {  	_ =	shalt  }
0x5c: {  	_ =	shalt  }
0x5d: {  	_ =	shalt  }
0x5e: {  	_ =	shalt  }
0x5f: {  	_ =	shalt  }
0x60: {  	_ =	shalt  }
0x61: {  	_ =	shalt  }
0x62: {  	_ =	shalt  }
0x63: {  	_ =	shalt  }
0x64: {  	_ =	shalt  }
0x65: {  	_ =	shalt  }
0x66: {  	_ =	shalt  }
0x67: {  	_ =	shalt  }
0x68: {  	_ =	shalt  }
0x69: {  	_ =	shalt  }
0x6a: {  	_ =	shalt  }
0x6b: {  	_ =	shalt  }
0x6c: {  	_ =	shalt  }
0x6d: {  	_ =	shalt  }
0x6e: {  	_ =	shalt  }
0x6f: {  	_ =	shalt  }
0x70: {  	_ =	shalt  }
0x71: {  	_ =	shalt  }
0x72: {  	_ =	shalt  }
0x73: {  	_ =	shalt  }
0x74: {  	_ =	shalt  }
0x75: {  	_ =	shalt  }
0x76: {  	_ =	shalt  }
0x77: {  	_ =	shalt  }
0x78: {  	_ =	shalt  }
0x79: {  	_ =	shalt  }
0x7a: {  	_ =	shalt  }
0x7b: {  	_ =	shalt  }
0x7c: {  	_ =	shalt  }
0x7d: {  	_ =	shalt  }
0x7e: {  	_ =	shalt  }
0x7f: {  	_ =	shalt  }
0x80: {  	_ =	shalt  }
0x81: {  	_ =	shalt  }
0x82: {  	_ =	shalt  }
0x83: {  	_ =	shalt  }
0x84: {  	_ =	shalt  }
0x85: {  	_ =	shalt  }
0x86: {  	_ =	shalt  }
0x87: {  	_ =	shalt  }
.Lfunc_end0:
.L_simem_size_0:
called_computation.1_lowered:
.L_overlay_start_0:
0x88: {  	s2 =	sld [smem:$0x3FD9]  }
0x89: {  	s3 =	sld [smem:$0x3FFE];
	_ =	sdelay $0x1  }
0x8a: {  	s1 =	srdreg.scid  }
0x8b: {  	s0 =	sand.u32 $0x1, s1  }
0x8c: {  	s14 =	sshll.u32 s0, $0xA;
	s2 =	sadd.s32 s3, s2  }
0x8d: {  	s2 =	sadd.s32 s2, s14  }
0x8e: {  	[smem:$0x3FC0] =	sst s2  }
0x8f: {  	_ = 	snop  }
0x90: {  	s2 =	sld [smem:$0x3FD0];
	_ =	sdelay $0x2  }
0x91: {  	s15 =	simm.s32 $0xA;
	s4 =	simm.s32 $0x10  }
0x92: {  	[smem:s4], [sflag:s15] =	dma.local [hbm:s2], $0x1  }
0x93: {  	_ =	swait.eq [sflag:s15], $0x1  }
0x94: {  	[sflag:s15] =	ssyncset.done $0x0  }
0x95: {  	s16 =	sld [smem:$0x10];
	[sflag:s15] =	ssyncadd.s32 $0xFFFFFFFF  }
0x96: {  	s17 =	sld [smem:$0x11];
	(tm) =	ssettm $0x1  }
0x97: {  	s18 =	sld [smem:$0x3FFB];
	_ =	sdelay $0x3  }
0x98: {  	_ =	strace s18  }
0x99: {  	s4 =	sld [smem:$0x3FFC];
	_ =	sdelay $0x3  }
0x9a: {  	_ =	strace s4  }
0x9b: {  	s4 =	sld [smem:$0x3FFD];
	_ =	sdelay $0x3  }
0x9c: {  	_ =	strace s4  }
0x9d: {  	_ =	strace $0x8FFFFFFF  }
0x9e: {  	s19 =	sld [smem:$0x3FDB];
	_ =	sdelay $0x1  }
0x9f: {  	s5 =	simm.s32 $_scs_section_size  }
0xa0: {  	s6 =	simm.s32 $_size__tile_overlayer_lowered;
	s7 =	simm.s32 $_tile_overlayer_lowered  }
0xa1: {  	s22 =	simm.s32 $0x1BFF;
	s21 =	sshll.u32 s7, $0x1;
	s4 =	sadd.s32 s5, s19  }
0xa2: {  	s8 =	simm.s32 $0x0;
	s20 =	sshll.u32 s6, $0x1;
	s6 =	sadd.s32 s21, s4  }
0xa3: {  	[timem:s8], [sflag:s22] =	dma.local [hbm:s6], s20  }
0xa4: {  	_ =	swait.ge [sflag:s22], s20  }
0xa5: {  	s5 =	ssub.s32 $0x0, s20;
	[sflag:s22] =	ssyncset.done $0x0  }
0xa6: {  	[sflag:s22] =	ssyncadd.s32 s5;
	_ =	sdelay $0x1  }
0xa7: {  	s23 =	simm.s32 $0x1B8B  }
0xa8: {  	_ =	swait.ge [sflag:s23], $0x1  }
0xa9: {  	[sflag:s23] =	ssyncset.done $0x0  }
0xaa: {  	s25 =	simm.s32 $0x1B8E;
	s24 =	sld [smem:$0x3FFE];
	[sflag:s23] =	ssyncadd.s32 $0xFFFFFFFF  }
0xab: {  	s26 =	simm.s32 $execute0_lowered;
	[smem:$0x3FD2] =	sst s25  }
0xac: {  	s6 =	sshll.u32 s26, $0x1;
	_ =	strace $0x80000049;
	[dreg:$0x1] =	wrdreg $0xFFFFFFFF  }
0xad: {  	s28 =	simm.s32 $_size_execute0_lowered;
	s4 =	sadd.s32 s4, s6;
	[dreg:$0x0] =	wrdreg $0x0  }
0xae: {  	s6 =	sshll.u32 s28, $0x1;
	[dreg:$0x2] =	wrdreg s4  }
0xaf: {  	[dreg:$0x3] =	wrdreg s6  }
0xb0: {  	[dreg:$0x4] =	wrdreg $0xC0  }
0xb1: {  	_ =	task [dreg:s8], $0x5FFFF  }
0xb2: {  	[dreg:$0x1] =	wrdreg $0xFFFFFFFF  }
0xb3: {  	[dreg:$0x0] =	wrdreg $0x60  }
0xb4: {  	[dreg:$0x2] =	wrdreg s16  }
0xb5: {  	[dreg:$0x3] =	wrdreg s17  }
0xb6: {  	[dreg:$0x4] =	wrdreg s24  }
0xb7: {  	[dreg:$0x5] =	wrdreg $0x69000  }
0xb8: {  	[dreg:$0x6] =	wrdreg $0x9  }
0xb9: {  	_ =	task.clear_ibuf [dreg:s8], $0x7FFFF;
	_ =	strace $0x90000049  }
0xba: {  	s29 =	simm.s32 $0x9;
	_ =	strace $0x8000004B  }
0xbb: {  	_ =	swait.ge [sflag:s29], $0x1  }
0xbc: {  	[sflag:s29] =	ssyncadd.s32 $0xFFFFFFFF  }
0xbd: {  	_ =	strace $0x9000004B  }
0xbe: {  	_ =	sfence  }
0xbf: {  	s30 =	sld [smem:$0x0];
	_ =	sdelay $0x2  }
0xc0: {  	s31 =	sshll.u32 s1, $0xD;
	s1 =	sshrl.u32 s1, $0x2  }
0xc1: {  	s3 =	sand.u32 $0x4000, s31;
	s1 =	sadd.s32 s1, s30  }
0xc2: {  	s0 =	sor.u32 s3, s0;
	s1 =	sshll.u32 s1, $0x11  }
0xc3: {  	s0 =	sor.u32 s1, s0  }
0xc4: {  	s0 =	sadd.s32 $0x8F2B, s0  }
0xc5: {  	[sflag:s0] =	ssyncadd.remote.s32 $0x1  }
0xc6: {  	_ =	sfence.sel $0xFFFF  }
0xc7: {  	[dreg:$0x0] =	wrdreg $0xFFFFFFFF;
	(pc) =	sbr.abs _section_cstart, $3  }
0xc8: {  	[dreg:$0x1] =	wrdreg $0xFFFFFFFF  }
0xc9: {  	_ =	task.clear_ibuf [dreg:s8], $0x2FFFF;
	_ =	strace $0x9FFFFFFF  }
0xca: {  	(tm) =	ssettm $0x7FFFFFFF  }
0xcb: {  	_ =	shalt  }
tec
execute0_lowered:
.L_overlay_start_1:
0x0: {  	(tag) =	ssettag $0x1  }
0x1: {  	s1 =	rddreg [dreg:$0x0]  }
0x2: {  	s2 =	srdreg.scid;
	s18 =	rddreg [dreg:$0x1]  }
0x3: {  	s0 =	stileid.u32;
	s6 =	rddreg [dreg:$0x2]  }
0x4: {  	s3 =	rddreg [dreg:$0x3];
	s4 =	simm.s32 $0x0;
	s23 =	simm.s32 $0x100  }
0x5: {  	s24 =	simm.s32 $0x1;
	s25 =	simm.s32 $0x0;
	s5 =	smul.u32 $0x4E20, s0  }
0x6: {  	s7 =	sand.u32 $0x1, s2;
	s2 =	rddreg [dreg:$0x4];
	s30 =	smul.u32 $0x50000, s0  }
0x7: {  	[smem:$0x7FF] =	sst s4;
	s10 =	smul.u32 $0x14000, s0;
	s15 =	sadd.s32 $0x5C200, s6  }
0x8: {  	s8 =	smul.u32 $0x2710, s7;
	_ =	strace $0x8000004A;
	s9 =	ssub.s32 $0x2, s7  }
0x9: {  	s20 =	smul.u32 $0x140000, s7;
	s31 =	sshrl.u32 s9, $0x1;
	s11 =	sadd.s32 $0x4000, s10  }
0xa: {  	s13 =	sadd.s32 $0x8000, s10;
	s14 =	sadd.s32 $0xC000, s10;
	s21 =	sadd.s32 $0x10000, s10  }
0xb: {  	s5 =	sadd.s32 s8, s5;
	s8 =	sshrl.u32 s30, $0x2;
	s16 =	ssub.s32 s9, s31  }
0xc: {  	s7 =	sadd.s32 s11, s3;
	s9 =	sadd.s32 s14, s3;
	s12 =	sadd.s32 s10, s20  }
0xd: {  	s11 =	sadd.s32 s20, s11;
	s10 =	sadd.s32 s21, s3;
	s14 =	sadd.s32 s20, s14  }
0xe: {  	s19 =	sshrl.u32 s5, $0x3;
	s5 =	sadd.s32 $0x5BA00, s6;
	s12 =	sshrl.u32 s12, $0x3  }
0xf: {  	s22 =	sshrl.u32 s11, $0x3;
	s14 =	sshrl.u32 s14, $0x3;
	s16 =	smax.u32 s16, $0x1  }
0x10: {  	s17 =	sadd.s32 s19, s6;
	s6 =	sadd.s32 s8, s3;
	s8 =	sadd.s32 s13, s3  }
0x11: {  	s11 =	sadd.s32 s15, s12;
	s12 =	sadd.s32 s15, s22;
	s13 =	sadd.s32 s20, s13  }
0x12: {  	s20 =	sadd.s32 s20, s21;
	s14 =	sadd.s32 s15, s14;
	s18 =	sadd.s32 s19, s18  }
0x13: {  	s19 =	simm.s32 $0x2900;
	s21 =	simm.s32 $0x80;
	s22 =	simm.s32 $0x50  }
0x14: {  	s13 =	sshrl.u32 s13, $0x3;
	s20 =	sshrl.u32 s20, $0x3;
	s17 =	sadd.s32 $0x3800, s17  }
0x15: {  	s13 =	sadd.s32 s15, s13;
	s15 =	sadd.s32 s15, s20;
	s20 =	simm.s32 $0x2  }
.LBB2_1:
0x16: {  	[tilespmem:s19], [sflag:$0x2] =	stream.linear.gather [hbm4b:s5+s4], $0x4000, $0x38;
	[tilespmem:$0x1A900] =	vst v63  }
0x17: {  	_ =	swait.ge [sflag:s20], $0x4000  }
0x18: {  	[sflag:s20] =	ssyncset.done $0x0  }
0x19: {  	[sflag:s20] =	ssyncadd.s32 $0xFFFFC000  }
0x1a: {  	[spmem:s6] =	stream.linear.scatter [tilespmem:s19], [sflag:$0x2], $0x4000, $0x38;
	[tilespmem:$0x1A900] =	vst v63  }
0x1b: {  	_ =	swait.ge [sflag:s20], $0x4000  }
0x1c: {  	[sflag:s20] =	ssyncset.done $0x0  }
0x1d: {  	[sflag:s20] =	ssyncadd.s32 $0xFFFFC000  }
0x1e: {  	[spmem:s7] =	stream.linear.scatter [tilespmem:s19], [sflag:$0x2], $0x4000, $0x38;
	[tilespmem:$0x1A900] =	vst v63  }
0x1f: {  	_ =	swait.ge [sflag:s20], $0x4000  }
0x20: {  	[sflag:s20] =	ssyncset.done $0x0  }
0x21: {  	[sflag:s20] =	ssyncadd.s32 $0xFFFFC000  }
0x22: {  	[spmem:s8] =	stream.linear.scatter [tilespmem:s19], [sflag:$0x2], $0x4000, $0x38;
	[tilespmem:$0x1A900] =	vst v63  }
0x23: {  	_ =	swait.ge [sflag:s20], $0x4000  }
0x24: {  	[sflag:s20] =	ssyncset.done $0x0  }
0x25: {  	[sflag:s20] =	ssyncadd.s32 $0xFFFFC000  }
0x26: {  	[spmem:s9] =	stream.linear.scatter [tilespmem:s19], [sflag:$0x2], $0x4000, $0x38;
	[tilespmem:$0x1A900] =	vst v63  }
0x27: {  	_ =	swait.ge [sflag:s20], $0x4000  }
0x28: {  	[sflag:s20] =	ssyncset.done $0x0  }
0x29: {  	[sflag:s20] =	ssyncadd.s32 $0xFFFFC000  }
0x2a: {  	[spmem:s10] =	stream.linear.scatter [tilespmem:s19], [sflag:$0x2], $0x4000, $0x38;
	[tilespmem:$0x1A900] =	vst v63  }
0x2b: {  	_ =	swait.ge [sflag:s20], $0x4000  }
0x2c: {  	[sflag:s20] =	ssyncset.done $0x0  }
0x2d: {  	[sflag:s20] =	ssyncadd.s32 $0xFFFFC000  }
0x2e: {  	s26 =	sadd.s32 $0x0, s18;
	[bflag:$0x0] =	sbarrier.arrive $0xFFFF  }
0x2f: {  	[tilespmem:s4], [sflag:$0x2] =	stream.linear.gather [hbm4b:s26+s4], $0x50, $0x38;
	[tilespmem:$0x1A900] =	vst v63  }
0x30: {  	_ =	swait.ge [sflag:s20], $0x50  }
0x31: {  	[sflag:s20] =	ssyncset.done $0x0  }
0x32: {  	s31 =	sadd.s32 $0x0, s17;
	[sflag:s20] =	ssyncadd.s32 $0xFFFFFFB0  }
0x33: {  	[tilespmem:s21], [sflag:$0x2] =	stream.linear.gather [hbm4b:s31+s4], $0x50, $0x38;
	[tilespmem:$0x1A900] =	vst v63  }
0x34: {  	_ =	swait.ge [sflag:s20], $0x50  }
0x35: {  	[sflag:s20] =	ssyncset.done $0x0  }
0x36: {  	[sflag:s20] =	ssyncadd.s32 $0xFFFFFFB0  }
0x37: {  	[tilespmem:s23], [sflag:$0x1] =	stream.indirect.gather [hbm4b:s1+s22], $0x80, s4, s22, $0xb8;
	[tilespmem:$0x1A900] =	vst v63  }
0x38: {  	_ =	swait.ge [sflag:s24], $0x2800  }
0x39: {  	[sflag:s24] =	ssyncset.done $0x0  }
0x3a: {  	[sflag:s24] =	ssyncadd.s32 $0xFFFFD800  }
0x3b: {  	[spmem:s3] =	stream.indirect.scatter.add.f32 [tilespmem:s23], [sflag:$0x2], $0x80, s21, s22, $0xb8;
	[tilespmem:$0x1A900] =	vst v63  }
0x3c: {  	_ =	swait.ge [sflag:s20], $0x2800  }
0x3d: {  	s28 =	simm.s32 $0x14;
	s26 =	simm.s32 $0xA;
	[sflag:s20] =	ssyncset.done $0x0  }
.LBB2_2:
0x3e: {  	s29 =	sadd.s32 s26, s18  }
0x3f: {  	[sflag:s20] =	ssyncadd.s32 $0xFFFFD800;
	s30 =	smov.u32 s28;
	s31 =	sadd.s32 $0xA, s28  }
0x40: {  	[tilespmem:s4], [sflag:$0x2] =	stream.linear.gather [hbm4b:s29+s4], $0x50, $0x38;
	[tilespmem:$0x1A900] =	vst v63  }
0x41: {  	p0 =	sne.s32 s28, $0x4D8;
	_ =	swait.ge [sflag:s20], $0x50  }
0x42: {  	[sflag:s20] =	ssyncset.done $0x0  }
0x43: {  	s28 =	sadd.s32 s26, s17;
	s26 =	smov.u32 s30;
	[sflag:s20] =	ssyncadd.s32 $0xFFFFFFB0  }
0x44: {  	[tilespmem:s21], [sflag:$0x2] =	stream.linear.gather [hbm4b:s28+s4], $0x50, $0x38;
	[tilespmem:$0x1A900] =	vst v63  }
0x45: {  	_ =	swait.ge [sflag:s20], $0x50  }
0x46: {  	[sflag:s20] =	ssyncset.done $0x0  }
0x47: {  	[sflag:s20] =	ssyncadd.s32 $0xFFFFFFB0  }
0x48: {  	[tilespmem:s23], [sflag:$0x1] =	stream.indirect.gather [hbm4b:s1+s22], $0x80, s4, s22, $0xb8;
	[tilespmem:$0x1A900] =	vst v63  }
0x49: {  	_ =	swait.ge [sflag:s24], $0x2800  }
.Ltmp0:
0x4a: {  	[sflag:s24] =	ssyncset.done $0x0;
	(pc) =	sbr.rel @p0 .LBB2_2-.Ltmp0, $4  }
0x4b: {  	[sflag:s24] =	ssyncadd.s32 $0xFFFFD800  }
0x4c: {  	[spmem:s3] =	stream.indirect.scatter.add.f32 [tilespmem:s23], [sflag:$0x2], $0x80, s21, s22, $0xb8;
	[tilespmem:$0x1A900] =	vst v63  }
0x4d: {  	_ =	swait.ge [sflag:s20], $0x2800  }
0x4e: {  	s28 =	smov.u32 s31;
	[sflag:s20] =	ssyncset.done $0x0  }
0x4f: {  	s28 =	sadd.s32 s26, s18;
	[sflag:s20] =	ssyncadd.s32 $0xFFFFD800  }
0x50: {  	[tilespmem:s4], [sflag:$0x2] =	stream.linear.gather [hbm4b:s28+s4], $0x50, $0x38;
	[tilespmem:$0x1A900] =	vst v63  }
0x51: {  	_ =	swait.ge [sflag:s20], $0x50  }
0x52: {  	[sflag:s20] =	ssyncset.done $0x0  }
0x53: {  	s31 =	sadd.s32 s26, s17;
	[sflag:s20] =	ssyncadd.s32 $0xFFFFFFB0  }
0x54: {  	[tilespmem:s21], [sflag:$0x2] =	stream.linear.gather [hbm4b:s31+s4], $0x50, $0x38;
	[tilespmem:$0x1A900] =	vst v63  }
0x55: {  	_ =	swait.ge [sflag:s20], $0x50  }
0x56: {  	[sflag:s20] =	ssyncset.done $0x0  }
0x57: {  	[sflag:s20] =	ssyncadd.s32 $0xFFFFFFB0  }
0x58: {  	[tilespmem:s23], [sflag:$0x1] =	stream.indirect.gather [hbm4b:s1+s22], $0x80, s4, s22, $0xb8;
	[tilespmem:$0x1A900] =	vst v63  }
0x59: {  	_ =	swait.ge [sflag:s24], $0x2800  }
0x5a: {  	[sflag:s24] =	ssyncset.done $0x0  }
0x5b: {  	[sflag:s24] =	ssyncadd.s32 $0xFFFFD800  }
0x5c: {  	[spmem:s3] =	stream.indirect.scatter.add.f32 [tilespmem:s23], [sflag:$0x2], $0x80, s21, s22, $0xb8;
	[tilespmem:$0x1A900] =	vst v63  }
0x5d: {  	_ =	swait.ge [sflag:s20], $0x2800  }
0x5e: {  	[sflag:s20] =	ssyncset.done $0x0  }
0x5f: {  	[sflag:s20] =	ssyncadd.s32 $0xFFFFD800  }
0x60: {  	[bflag:$0x0] =	sbarrier.arrive $0xFFFF  }
0x61: {  	[tilespmem:s19], [sflag:$0x2] =	stream.linear.gather [spmem:s6], $0x4000, $0x38;
	[tilespmem:$0x1A900] =	vst v63  }
0x62: {  	_ =	swait.ge [sflag:s20], $0x4000  }
0x63: {  	[sflag:s20] =	ssyncset.done $0x0  }
0x64: {  	[sflag:s20] =	ssyncadd.s32 $0xFFFFC000  }
0x65: {  	[hbm4b:s11+s4] =	stream.linear.scatter [tilespmem:s19], [sflag:$0x2], $0x4000, $0x38;
	[tilespmem:$0x1A900] =	vst v63  }
0x66: {  	_ =	swait.ge [sflag:s20], $0x4000  }
0x67: {  	[sflag:s20] =	ssyncset.done $0x0  }
0x68: {  	[sflag:s20] =	ssyncadd.s32 $0xFFFFC000  }
0x69: {  	[tilespmem:s19], [sflag:$0x2] =	stream.linear.gather [spmem:s7], $0x4000, $0x38;
	[tilespmem:$0x1A900] =	vst v63  }
0x6a: {  	_ =	swait.ge [sflag:s20], $0x4000  }
0x6b: {  	[sflag:s20] =	ssyncset.done $0x0  }
0x6c: {  	[sflag:s20] =	ssyncadd.s32 $0xFFFFC000  }
0x6d: {  	[hbm4b:s12+s4] =	stream.linear.scatter [tilespmem:s19], [sflag:$0x2], $0x4000, $0x38;
	[tilespmem:$0x1A900] =	vst v63  }
0x6e: {  	_ =	swait.ge [sflag:s20], $0x4000  }
0x6f: {  	[sflag:s20] =	ssyncset.done $0x0  }
0x70: {  	[sflag:s20] =	ssyncadd.s32 $0xFFFFC000  }
0x71: {  	[tilespmem:s19], [sflag:$0x2] =	stream.linear.gather [spmem:s8], $0x4000, $0x38;
	[tilespmem:$0x1A900] =	vst v63  }
0x72: {  	_ =	swait.ge [sflag:s20], $0x4000  }
0x73: {  	[sflag:s20] =	ssyncset.done $0x0  }
0x74: {  	[sflag:s20] =	ssyncadd.s32 $0xFFFFC000  }
0x75: {  	[hbm4b:s13+s4] =	stream.linear.scatter [tilespmem:s19], [sflag:$0x2], $0x4000, $0x38;
	[tilespmem:$0x1A900] =	vst v63  }
0x76: {  	_ =	swait.ge [sflag:s20], $0x4000  }
0x77: {  	[sflag:s20] =	ssyncset.done $0x0  }
0x78: {  	[sflag:s20] =	ssyncadd.s32 $0xFFFFC000  }
0x79: {  	[tilespmem:s19], [sflag:$0x2] =	stream.linear.gather [spmem:s9], $0x4000, $0x38;
	[tilespmem:$0x1A900] =	vst v63  }
0x7a: {  	_ =	swait.ge [sflag:s20], $0x4000  }
0x7b: {  	[sflag:s20] =	ssyncset.done $0x0  }
0x7c: {  	[sflag:s20] =	ssyncadd.s32 $0xFFFFC000  }
0x7d: {  	[hbm4b:s14+s4] =	stream.linear.scatter [tilespmem:s19], [sflag:$0x2], $0x4000, $0x38;
	[tilespmem:$0x1A900] =	vst v63  }
0x7e: {  	_ =	swait.ge [sflag:s20], $0x4000  }
0x7f: {  	[sflag:s20] =	ssyncset.done $0x0  }
0x80: {  	[sflag:s20] =	ssyncadd.s32 $0xFFFFC000  }
0x81: {  	[tilespmem:s19], [sflag:$0x2] =	stream.linear.gather [spmem:s10], $0x4000, $0x38;
	[tilespmem:$0x1A900] =	vst v63  }
0x82: {  	s25 =	sadd.s32 $0x1, s25;
	_ =	swait.ge [sflag:s20], $0x4000  }
0x83: {  	p0 =	sne.s32 s25, s16;
	[sflag:s20] =	ssyncset.done $0x0  }
.Ltmp1:
0x84: {  	[sflag:s20] =	ssyncadd.s32 $0xFFFFC000;
	(pc) =	sbr.rel @p0 .LBB2_1-.Ltmp1, $4  }
0x85: {  	[hbm4b:s15+s4] =	stream.linear.scatter [tilespmem:s19], [sflag:$0x2], $0x4000, $0x38;
	[tilespmem:$0x1A900] =	vst v63  }
0x86: {  	_ =	swait.ge [sflag:s20], $0x4000  }
0x87: {  	[sflag:s20] =	ssyncset.done $0x0  }
0x88: {  	[sflag:s20] =	ssyncadd.s32 $0xFFFFC000  }
0x89: {  	_ =	sfence.sel $0x180000  }
0x8a: {  	[bflag:$0x0] =	sbarrier.arrive $0xFFFF  }
0x8b: {  	p0 =	sne.s32 s0, $0x0;
	_ =	strace $0x9000004A  }
0x8c: {  	s0 =	sadd.s32 @!p0 $0x100000, s2;
	[bflag:$0x2] =	sbarrier.arrive $0xFFFF  }
0x8d: {  	[sflag:s0] =	ssyncadd.tile.s32 @!p0 $0x1;
	_ =	shalt  }
.Lfunc_end2:
_tile_overlayer_lowered:
.L_overlay_start_2:
0x8e: {  	(tag) =	ssettag $0x2  }
0x8f: {  	s0 =	rddreg [dreg:$0x0];
	s2 =	stileid.u32  }
0x90: {  	s1 =	rddreg [dreg:$0x1];
	p0 =	sne.s32 s2, $0x0  }
0x91: {  	s3 =	rddreg [dreg:$0x2];
	[bflag:$0x3] =	sbarrier.arrive $0xFFFF;
	s2 =	simm.s32 @!p0 $0x1C02  }
0x92: {  	[timem:s3], [sflag:s2] =	dma.local @!p0 [hbm:s0], s1  }
0x93: {  	s0 =	simm.s32 @!p0 $0x2  }
0x94: {  	_ =	swait.ge @!p0 [sflag:s0], s1  }
0x95: {  	s1 =	ssub.s32 @!p0 $0x0, s1;
	[sflag:s0] =	ssyncset.done @!p0 $0x0  }
0x96: {  	[sflag:s0] =	ssyncadd.s32 @!p0 s1  }
0x97: {  	[bflag:$0x3] =	sbarrier.arrive $0xFFFF  }
0x98: {  	_ =	shalt  }

// kernel: kernel.14.cloned.1.call-start
scs
__scs_entry_jumppad:
0x0: {  	(pc) =	sbr.rel $0x88, $3  }
0x1: {  	(tag) =	ssettag $0x0;
	lr =	simm.s32 $0x1  }
0x2: {  	[smem:$0x3F99] =	sst lr;
	_ =	strace $0xD0000000  }
0x3: {  	_ = 	snop  }
0x4: {  	_ = 	snop  }
0x5: {  	_ = 	snop  }
0x6: {  	_ = 	snop  }
0x7: {  	_ = 	snop  }
__scs_overlays_trampoline_lowered:
0x8: {  	[smem:$0x3FA8] =	sst s0  }
0x9: {  	[smem:$0x3FA9] =	sst s1  }
0xa: {  	[smem:$0x3FAA] =	sst s2  }
0xb: {  	[smem:$0x3FAB] =	sst s3  }
0xc: {  	[smem:$0x3FAC] =	sst s4  }
0xd: {  	[smem:$0x3FAD] =	sst s5  }
0xe: {  	[smem:$0x3FAE] =	sst s6  }
0xf: {  	[smem:$0x3FAF] =	sst s7  }
0x10: {  	[smem:$0x3FB0] =	sst s8  }
0x11: {  	[smem:$0x3FB1] =	sst s9;
	s0 =	simm.s32 @!p0 $0x0  }
0x12: {  	s1 =	sld [smem:$0x3F97];
	s0 =	simm.s32 @p0 $0x1  }
0x13: {  	[smem:$0x3FB2] =	sst s0;
	s0 =	simm.s32 @!p1 $0x0  }
0x14: {  	s2 =	sld [smem:$0x3F96];
	s0 =	simm.s32 @p1 $0x1  }
0x15: {  	[smem:$0x3FB3] =	sst s0;
	s0 =	simm.s32 @!p2 $0x0  }
0x16: {  	s3 =	sld [smem:$0x3FDB];
	s0 =	simm.s32 @p2 $0x1  }
0x17: {  	s4 =	simm.s32 $0x1BF5;
	[smem:$0x3FB5] =	sst s0  }
0x18: {  	s0 =	sld [smem:$0x3F98];
	_ =	swait.ge [sflag:s4], $0x0  }
0x19: {  	s7 =	sld [smem:$0x3F99]  }
0x1a: {  	s8 =	sadd.s32 $0xFFFFE003, lr  }
0x1b: {  	s9 =	sadd.s32 $0xFFFFFEF7, lr;
	s5 =	simm.s32 $0xFFFFFFFF;
	p2 =	slt.u32 s8, $0xFFFFF086  }
0x1c: {  	p1 =	slt.u32 s9, $0xF7A;
	s5 =	simm.s32 @!p2 $0x0  }
0x1d: {  	s5 =	simm.s32 @p1 $0x1;
	p0 =	seq.s32 s7, s2  }
0x1e: {  	s7 =	smul.u32 @!p0 $0xF7A, s2;
	p2 =	seq.s32 @!p0 s5, $0x0  }
0x1f: {  	s9 =	smul.u32 $0xF7A, s1;
	s8 =	simm.s32 @!p0 $0x1BF5;
	p2 =	por !p2, p0  }
0x20: {  	[sflag:s8] =	ssyncset.s32 @!p0 $0xFFFFF086;
	s6 =	sadd.s32 @!p0 s3, s7;
	s7 =	simm.s32 @!p0 $0x108  }
0x21: {  	s3 =	sadd.s32 s3, s9;
	s6 =	sadd.s32 @!p0 $0x88, s6;
	s7 =	simm.s32 @p2 $0x1082  }
0x22: {  	[simem:s7], [sflag:s8] =	dma.local @!p0 [hbm:s6], $0xF7A  }
0x23: {  	s9 =	sor.u32 $0xD0000000, s2;
	s6 =	simm.s32 $0x108;
	_ =	swait.ge @!p0 [sflag:s8], $0x0  }
0x24: {  	s3 =	sadd.s32 $0x88, s3;
	s6 =	simm.s32 @!p1 $0x1082;
	[sflag:s4] =	ssyncset.s32 $0xFFFFF086  }
0x25: {  	[simem:s6], [sflag:s4] =	dma.local [hbm:s3], $0xF7A  }
0x26: {  	[smem:$0x3F99] =	sst s1;
	(tag) =	ssettag s2;
	_ =	strace s9  }
0x27: {  	s1 =	sld [smem:$0x3FA9]  }
0x28: {  	s2 =	sld [smem:$0x3FAA]  }
0x29: {  	s4 =	sld [smem:$0x3FAC]  }
0x2a: {  	p0 =	seq.s32 s5, $0x0;
	s5 =	sld [smem:$0x3FAD]  }
0x2b: {  	s6 =	sld [smem:$0x3FAE]  }
0x2c: {  	s7 =	sld [smem:$0x3FAF]  }
0x2d: {  	s3 =	simm.s32 $0x108;
	s8 =	sld [smem:$0x3FB0]  }
0x2e: {  	s3 =	simm.s32 @!p0 $0x1082;
	s9 =	sld [smem:$0x3FB1]  }
0x2f: {  	lr =	sadd.s32 s0, s3;
	s0 =	sld [smem:$0x3FA8]  }
0x30: {  	s3 =	sld [smem:$0x3FAB]  }
0x31: {  	[smem:$0x3FB4] =	sst s10  }
0x32: {  	s10 =	sld [smem:$0x3FB2];
	_ =	sdelay $0x3  }
0x33: {  	p0 =	seq.s32 s10, $0x1;
	s10 =	sld [smem:$0x3FB4];
	_ =	sdelay $0x3  }
0x34: {  	[smem:$0x3FB4] =	sst s10  }
0x35: {  	s10 =	sld [smem:$0x3FB3];
	_ =	sdelay $0x3  }
0x36: {  	p1 =	seq.s32 s10, $0x1;
	s10 =	sld [smem:$0x3FB4];
	_ =	sdelay $0x3  }
0x37: {  	[smem:$0x3FB4] =	sst s10  }
0x38: {  	s10 =	sld [smem:$0x3FB5]  }
0x39: {  	_ = 	snop;
	(pc) =	sbr.ind lr, $3  }
0x3a: {  	_ = 	snop  }
0x3b: {  	_ = 	snop  }
0x3c: {  	p2 =	seq.s32 s10, $0x1;
	s10 =	sld [smem:$0x3FB4]  }
0x3d: {  	_ =	shalt  }
0x3e: {  	_ =	shalt  }
0x3f: {  	_ =	shalt  }
0x40: {  	_ =	shalt  }
0x41: {  	_ =	shalt  }
0x42: {  	_ =	shalt  }
0x43: {  	_ =	shalt  }
0x44: {  	_ =	shalt  }
0x45: {  	_ =	shalt  }
0x46: {  	_ =	shalt  }
0x47: {  	_ =	shalt  }
0x48: {  	_ =	shalt  }
0x49: {  	_ =	shalt  }
0x4a: {  	_ =	shalt  }
0x4b: {  	_ =	shalt  }
0x4c: {  	_ =	shalt  }
0x4d: {  	_ =	shalt  }
0x4e: {  	_ =	shalt  }
0x4f: {  	_ =	shalt  }
0x50: {  	_ =	shalt  }
0x51: {  	_ =	shalt  }
0x52: {  	_ =	shalt  }
0x53: {  	_ =	shalt  }
0x54: {  	_ =	shalt  }
0x55: {  	_ =	shalt  }
0x56: {  	_ =	shalt  }
0x57: {  	_ =	shalt  }
0x58: {  	_ =	shalt  }
0x59: {  	_ =	shalt  }
0x5a: {  	_ =	shalt  }
0x5b: {  	_ =	shalt  }
0x5c: {  	_ =	shalt  }
0x5d: {  	_ =	shalt  }
0x5e: {  	_ =	shalt  }
0x5f: {  	_ =	shalt  }
0x60: {  	_ =	shalt  }
0x61: {  	_ =	shalt  }
0x62: {  	_ =	shalt  }
0x63: {  	_ =	shalt  }
0x64: {  	_ =	shalt  }
0x65: {  	_ =	shalt  }
0x66: {  	_ =	shalt  }
0x67: {  	_ =	shalt  }
0x68: {  	_ =	shalt  }
0x69: {  	_ =	shalt  }
0x6a: {  	_ =	shalt  }
0x6b: {  	_ =	shalt  }
0x6c: {  	_ =	shalt  }
0x6d: {  	_ =	shalt  }
0x6e: {  	_ =	shalt  }
0x6f: {  	_ =	shalt  }
0x70: {  	_ =	shalt  }
0x71: {  	_ =	shalt  }
0x72: {  	_ =	shalt  }
0x73: {  	_ =	shalt  }
0x74: {  	_ =	shalt  }
0x75: {  	_ =	shalt  }
0x76: {  	_ =	shalt  }
0x77: {  	_ =	shalt  }
0x78: {  	_ =	shalt  }
0x79: {  	_ =	shalt  }
0x7a: {  	_ =	shalt  }
0x7b: {  	_ =	shalt  }
0x7c: {  	_ =	shalt  }
0x7d: {  	_ =	shalt  }
0x7e: {  	_ =	shalt  }
0x7f: {  	_ =	shalt  }
0x80: {  	_ =	shalt  }
0x81: {  	_ =	shalt  }
0x82: {  	_ =	shalt  }
0x83: {  	_ =	shalt  }
0x84: {  	_ =	shalt  }
0x85: {  	_ =	shalt  }
0x86: {  	_ =	shalt  }
0x87: {  	_ =	shalt  }
.Lfunc_end0:
.L_simem_size_0:
called_computation.2_lowered:
.L_overlay_start_0:
0x88: {  	s2 =	sld [smem:$0x3FD9]  }
0x89: {  	s3 =	sld [smem:$0x3FFE];
	_ =	sdelay $0x1  }
0x8a: {  	s1 =	srdreg.scid  }
0x8b: {  	s0 =	sand.u32 $0x1, s1  }
0x8c: {  	s14 =	sshll.u32 s0, $0xA;
	s2 =	sadd.s32 s3, s2  }
0x8d: {  	s2 =	sadd.s32 s2, s14  }
0x8e: {  	[smem:$0x3FC0] =	sst s2  }
0x8f: {  	_ = 	snop  }
0x90: {  	s2 =	sld [smem:$0x3FD0];
	_ =	sdelay $0x2  }
0x91: {  	s15 =	simm.s32 $0xA;
	s4 =	simm.s32 $0x10  }
0x92: {  	[smem:s4], [sflag:s15] =	dma.local [hbm:s2], $0x1  }
0x93: {  	_ =	swait.eq [sflag:s15], $0x1  }
0x94: {  	[sflag:s15] =	ssyncset.done $0x0  }
0x95: {  	s16 =	sld [smem:$0x10];
	[sflag:s15] =	ssyncadd.s32 $0xFFFFFFFF  }
0x96: {  	s17 =	sld [smem:$0x11];
	(tm) =	ssettm $0x1  }
0x97: {  	s18 =	sld [smem:$0x3FFB];
	_ =	sdelay $0x3  }
0x98: {  	_ =	strace s18  }
0x99: {  	s4 =	sld [smem:$0x3FFC];
	_ =	sdelay $0x3  }
0x9a: {  	_ =	strace s4  }
0x9b: {  	s4 =	sld [smem:$0x3FFD];
	_ =	sdelay $0x3  }
0x9c: {  	_ =	strace s4  }
0x9d: {  	_ =	strace $0x8FFFFFFF  }
0x9e: {  	s19 =	sld [smem:$0x3FDB];
	_ =	sdelay $0x1  }
0x9f: {  	s5 =	simm.s32 $_scs_section_size  }
0xa0: {  	s6 =	simm.s32 $_size__tile_overlayer_lowered;
	s7 =	simm.s32 $_tile_overlayer_lowered  }
0xa1: {  	s22 =	simm.s32 $0x1BFF;
	s21 =	sshll.u32 s7, $0x1;
	s4 =	sadd.s32 s5, s19  }
0xa2: {  	s8 =	simm.s32 $0x0;
	s20 =	sshll.u32 s6, $0x1;
	s6 =	sadd.s32 s21, s4  }
0xa3: {  	[timem:s8], [sflag:s22] =	dma.local [hbm:s6], s20  }
0xa4: {  	_ =	swait.ge [sflag:s22], s20  }
0xa5: {  	s5 =	ssub.s32 $0x0, s20;
	[sflag:s22] =	ssyncset.done $0x0  }
0xa6: {  	[sflag:s22] =	ssyncadd.s32 s5;
	_ =	sdelay $0x1  }
0xa7: {  	s23 =	simm.s32 $0x1B8B  }
0xa8: {  	_ =	swait.ge [sflag:s23], $0x1  }
0xa9: {  	[sflag:s23] =	ssyncset.done $0x0  }
0xaa: {  	s25 =	simm.s32 $0x1B8E;
	s24 =	sld [smem:$0x3FFE];
	[sflag:s23] =	ssyncadd.s32 $0xFFFFFFFF  }
0xab: {  	s26 =	simm.s32 $execute0_lowered;
	[smem:$0x3FD2] =	sst s25  }
0xac: {  	s6 =	sshll.u32 s26, $0x1;
	_ =	strace $0x8000004C;
	[dreg:$0x1] =	wrdreg $0xFFFFFFFF  }
0xad: {  	s28 =	simm.s32 $_size_execute0_lowered;
	s4 =	sadd.s32 s4, s6;
	[dreg:$0x0] =	wrdreg $0x0  }
0xae: {  	s6 =	sshll.u32 s28, $0x1;
	[dreg:$0x2] =	wrdreg s4  }
0xaf: {  	[dreg:$0x3] =	wrdreg s6  }
0xb0: {  	[dreg:$0x4] =	wrdreg $0xC0  }
0xb1: {  	_ =	task [dreg:s8], $0x5FFFF  }
0xb2: {  	[dreg:$0x1] =	wrdreg $0xFFFFFFFF  }
0xb3: {  	[dreg:$0x0] =	wrdreg $0x60  }
0xb4: {  	[dreg:$0x2] =	wrdreg s16  }
0xb5: {  	[dreg:$0x3] =	wrdreg s17  }
0xb6: {  	[dreg:$0x4] =	wrdreg s24  }
0xb7: {  	[dreg:$0x5] =	wrdreg $0x69000  }
0xb8: {  	[dreg:$0x6] =	wrdreg $0x9  }
0xb9: {  	_ =	task.clear_ibuf [dreg:s8], $0x7FFFF;
	_ =	strace $0x9000004C  }
0xba: {  	s29 =	simm.s32 $0x9;
	_ =	strace $0x8000004E  }
0xbb: {  	_ =	swait.ge [sflag:s29], $0x1  }
0xbc: {  	[sflag:s29] =	ssyncadd.s32 $0xFFFFFFFF  }
0xbd: {  	_ =	strace $0x9000004E  }
0xbe: {  	_ =	sfence  }
0xbf: {  	s30 =	sld [smem:$0x0];
	_ =	sdelay $0x2  }
0xc0: {  	s31 =	sshll.u32 s1, $0xD;
	s1 =	sshrl.u32 s1, $0x2  }
0xc1: {  	s3 =	sand.u32 $0x4000, s31;
	s1 =	sadd.s32 s1, s30  }
0xc2: {  	s0 =	sor.u32 s3, s0;
	s1 =	sshll.u32 s1, $0x11  }
0xc3: {  	s0 =	sor.u32 s1, s0  }
0xc4: {  	s0 =	sadd.s32 $0x8F2B, s0  }
0xc5: {  	[sflag:s0] =	ssyncadd.remote.s32 $0x1  }
0xc6: {  	_ =	sfence.sel $0xFFFF  }
0xc7: {  	[dreg:$0x0] =	wrdreg $0xFFFFFFFF;
	(pc) =	sbr.abs _section_cstart, $3  }
0xc8: {  	[dreg:$0x1] =	wrdreg $0xFFFFFFFF  }
0xc9: {  	_ =	task.clear_ibuf [dreg:s8], $0x2FFFF;
	_ =	strace $0x9FFFFFFF  }
0xca: {  	(tm) =	ssettm $0x7FFFFFFF  }
0xcb: {  	_ =	shalt  }
tec
execute0_lowered:
.L_overlay_start_1:
0x0: {  	(tag) =	ssettag $0x1  }
0x1: {  	s1 =	rddreg [dreg:$0x0]  }
0x2: {  	s2 =	srdreg.scid;
	s18 =	rddreg [dreg:$0x1]  }
0x3: {  	s0 =	stileid.u32;
	s6 =	rddreg [dreg:$0x2]  }
0x4: {  	s3 =	rddreg [dreg:$0x3];
	s4 =	simm.s32 $0x0;
	s23 =	simm.s32 $0x100  }
0x5: {  	s24 =	simm.s32 $0x1;
	s25 =	simm.s32 $0x0;
	s5 =	smul.u32 $0x4E20, s0  }
0x6: {  	s7 =	sand.u32 $0x1, s2;
	s2 =	rddreg [dreg:$0x4];
	s30 =	smul.u32 $0x50000, s0  }
0x7: {  	[smem:$0x7FF] =	sst s4;
	s10 =	smul.u32 $0x14000, s0;
	s15 =	sadd.s32 $0x5C200, s6  }
0x8: {  	s8 =	smul.u32 $0x2710, s7;
	_ =	strace $0x8000004D;
	s9 =	ssub.s32 $0x2, s7  }
0x9: {  	s20 =	smul.u32 $0x140000, s7;
	s31 =	sshrl.u32 s9, $0x1;
	s11 =	sadd.s32 $0x4000, s10  }
0xa: {  	s13 =	sadd.s32 $0x8000, s10;
	s14 =	sadd.s32 $0xC000, s10;
	s21 =	sadd.s32 $0x10000, s10  }
0xb: {  	s5 =	sadd.s32 s8, s5;
	s8 =	sshrl.u32 s30, $0x2;
	s16 =	ssub.s32 s9, s31  }
0xc: {  	s7 =	sadd.s32 s11, s3;
	s9 =	sadd.s32 s14, s3;
	s12 =	sadd.s32 s10, s20  }
0xd: {  	s11 =	sadd.s32 s20, s11;
	s10 =	sadd.s32 s21, s3;
	s14 =	sadd.s32 s20, s14  }
0xe: {  	s19 =	sshrl.u32 s5, $0x3;
	s5 =	sadd.s32 $0x5BA00, s6;
	s12 =	sshrl.u32 s12, $0x3  }
0xf: {  	s22 =	sshrl.u32 s11, $0x3;
	s14 =	sshrl.u32 s14, $0x3;
	s16 =	smax.u32 s16, $0x1  }
0x10: {  	s17 =	sadd.s32 s19, s6;
	s6 =	sadd.s32 s8, s3;
	s8 =	sadd.s32 s13, s3  }
0x11: {  	s11 =	sadd.s32 s15, s12;
	s12 =	sadd.s32 s15, s22;
	s13 =	sadd.s32 s20, s13  }
0x12: {  	s20 =	sadd.s32 s20, s21;
	s14 =	sadd.s32 s15, s14;
	s18 =	sadd.s32 s19, s18  }
0x13: {  	s19 =	simm.s32 $0x2900;
	s21 =	simm.s32 $0x80;
	s22 =	simm.s32 $0x50  }
0x14: {  	s13 =	sshrl.u32 s13, $0x3;
	s20 =	sshrl.u32 s20, $0x3;
	s17 =	sadd.s32 $0x3800, s17  }
0x15: {  	s13 =	sadd.s32 s15, s13;
	s15 =	sadd.s32 s15, s20;
	s20 =	simm.s32 $0x2  }
.LBB2_1:
0x16: {  	[tilespmem:s19], [sflag:$0x2] =	stream.linear.gather [hbm4b:s5+s4], $0x4000, $0x38;
	[tilespmem:$0x1A900] =	vst v63  }
0x17: {  	_ =	swait.ge [sflag:s20], $0x4000  }
0x18: {  	[sflag:s20] =	ssyncset.done $0x0  }
0x19: {  	[sflag:s20] =	ssyncadd.s32 $0xFFFFC000  }
0x1a: {  	[spmem:s6] =	stream.linear.scatter [tilespmem:s19], [sflag:$0x2], $0x4000, $0x38;
	[tilespmem:$0x1A900] =	vst v63  }
0x1b: {  	_ =	swait.ge [sflag:s20], $0x4000  }
0x1c: {  	[sflag:s20] =	ssyncset.done $0x0  }
0x1d: {  	[sflag:s20] =	ssyncadd.s32 $0xFFFFC000  }
0x1e: {  	[spmem:s7] =	stream.linear.scatter [tilespmem:s19], [sflag:$0x2], $0x4000, $0x38;
	[tilespmem:$0x1A900] =	vst v63  }
0x1f: {  	_ =	swait.ge [sflag:s20], $0x4000  }
0x20: {  	[sflag:s20] =	ssyncset.done $0x0  }
0x21: {  	[sflag:s20] =	ssyncadd.s32 $0xFFFFC000  }
0x22: {  	[spmem:s8] =	stream.linear.scatter [tilespmem:s19], [sflag:$0x2], $0x4000, $0x38;
	[tilespmem:$0x1A900] =	vst v63  }
0x23: {  	_ =	swait.ge [sflag:s20], $0x4000  }
0x24: {  	[sflag:s20] =	ssyncset.done $0x0  }
0x25: {  	[sflag:s20] =	ssyncadd.s32 $0xFFFFC000  }
0x26: {  	[spmem:s9] =	stream.linear.scatter [tilespmem:s19], [sflag:$0x2], $0x4000, $0x38;
	[tilespmem:$0x1A900] =	vst v63  }
0x27: {  	_ =	swait.ge [sflag:s20], $0x4000  }
0x28: {  	[sflag:s20] =	ssyncset.done $0x0  }
0x29: {  	[sflag:s20] =	ssyncadd.s32 $0xFFFFC000  }
0x2a: {  	[spmem:s10] =	stream.linear.scatter [tilespmem:s19], [sflag:$0x2], $0x4000, $0x38;
	[tilespmem:$0x1A900] =	vst v63  }
0x2b: {  	_ =	swait.ge [sflag:s20], $0x4000  }
0x2c: {  	[sflag:s20] =	ssyncset.done $0x0  }
0x2d: {  	[sflag:s20] =	ssyncadd.s32 $0xFFFFC000  }
0x2e: {  	s26 =	sadd.s32 $0x0, s18;
	[bflag:$0x0] =	sbarrier.arrive $0xFFFF  }
0x2f: {  	[tilespmem:s4], [sflag:$0x2] =	stream.linear.gather [hbm4b:s26+s4], $0x50, $0x38;
	[tilespmem:$0x1A900] =	vst v63  }
0x30: {  	_ =	swait.ge [sflag:s20], $0x50  }
0x31: {  	[sflag:s20] =	ssyncset.done $0x0  }
0x32: {  	s31 =	sadd.s32 $0x0, s17;
	[sflag:s20] =	ssyncadd.s32 $0xFFFFFFB0  }
0x33: {  	[tilespmem:s21], [sflag:$0x2] =	stream.linear.gather [hbm4b:s31+s4], $0x50, $0x38;
	[tilespmem:$0x1A900] =	vst v63  }
0x34: {  	_ =	swait.ge [sflag:s20], $0x50  }
0x35: {  	[sflag:s20] =	ssyncset.done $0x0  }
0x36: {  	[sflag:s20] =	ssyncadd.s32 $0xFFFFFFB0  }
0x37: {  	[tilespmem:s23], [sflag:$0x1] =	stream.indirect.gather [hbm4b:s1+s22], $0x80, s4, s22, $0xb8;
	[tilespmem:$0x1A900] =	vst v63  }
0x38: {  	_ =	swait.ge [sflag:s24], $0x2800  }
0x39: {  	[sflag:s24] =	ssyncset.done $0x0  }
0x3a: {  	[sflag:s24] =	ssyncadd.s32 $0xFFFFD800  }
0x3b: {  	[spmem:s3] =	stream.indirect.scatter.add.f32 [tilespmem:s23], [sflag:$0x2], $0x80, s21, s22, $0xb8;
	[tilespmem:$0x1A900] =	vst v63  }
0x3c: {  	_ =	swait.ge [sflag:s20], $0x2800  }
0x3d: {  	s28 =	simm.s32 $0x14;
	s26 =	simm.s32 $0xA;
	[sflag:s20] =	ssyncset.done $0x0  }
.LBB2_2:
0x3e: {  	s29 =	sadd.s32 s26, s18  }
0x3f: {  	[sflag:s20] =	ssyncadd.s32 $0xFFFFD800;
	s30 =	smov.u32 s28;
	s31 =	sadd.s32 $0xA, s28  }
0x40: {  	[tilespmem:s4], [sflag:$0x2] =	stream.linear.gather [hbm4b:s29+s4], $0x50, $0x38;
	[tilespmem:$0x1A900] =	vst v63  }
0x41: {  	p0 =	sne.s32 s28, $0x4D8;
	_ =	swait.ge [sflag:s20], $0x50  }
0x42: {  	[sflag:s20] =	ssyncset.done $0x0  }
0x43: {  	s28 =	sadd.s32 s26, s17;
	s26 =	smov.u32 s30;
	[sflag:s20] =	ssyncadd.s32 $0xFFFFFFB0  }
0x44: {  	[tilespmem:s21], [sflag:$0x2] =	stream.linear.gather [hbm4b:s28+s4], $0x50, $0x38;
	[tilespmem:$0x1A900] =	vst v63  }
0x45: {  	_ =	swait.ge [sflag:s20], $0x50  }
0x46: {  	[sflag:s20] =	ssyncset.done $0x0  }
0x47: {  	[sflag:s20] =	ssyncadd.s32 $0xFFFFFFB0  }
0x48: {  	[tilespmem:s23], [sflag:$0x1] =	stream.indirect.gather [hbm4b:s1+s22], $0x80, s4, s22, $0xb8;
	[tilespmem:$0x1A900] =	vst v63  }
0x49: {  	_ =	swait.ge [sflag:s24], $0x2800  }
.Ltmp0:
0x4a: {  	[sflag:s24] =	ssyncset.done $0x0;
	(pc) =	sbr.rel @p0 .LBB2_2-.Ltmp0, $4  }
0x4b: {  	[sflag:s24] =	ssyncadd.s32 $0xFFFFD800  }
0x4c: {  	[spmem:s3] =	stream.indirect.scatter.add.f32 [tilespmem:s23], [sflag:$0x2], $0x80, s21, s22, $0xb8;
	[tilespmem:$0x1A900] =	vst v63  }
0x4d: {  	_ =	swait.ge [sflag:s20], $0x2800  }
0x4e: {  	s28 =	smov.u32 s31;
	[sflag:s20] =	ssyncset.done $0x0  }
0x4f: {  	s28 =	sadd.s32 s26, s18;
	[sflag:s20] =	ssyncadd.s32 $0xFFFFD800  }
0x50: {  	[tilespmem:s4], [sflag:$0x2] =	stream.linear.gather [hbm4b:s28+s4], $0x50, $0x38;
	[tilespmem:$0x1A900] =	vst v63  }
0x51: {  	_ =	swait.ge [sflag:s20], $0x50  }
0x52: {  	[sflag:s20] =	ssyncset.done $0x0  }
0x53: {  	s31 =	sadd.s32 s26, s17;
	[sflag:s20] =	ssyncadd.s32 $0xFFFFFFB0  }
0x54: {  	[tilespmem:s21], [sflag:$0x2] =	stream.linear.gather [hbm4b:s31+s4], $0x50, $0x38;
	[tilespmem:$0x1A900] =	vst v63  }
0x55: {  	_ =	swait.ge [sflag:s20], $0x50  }
0x56: {  	[sflag:s20] =	ssyncset.done $0x0  }
0x57: {  	[sflag:s20] =	ssyncadd.s32 $0xFFFFFFB0  }
0x58: {  	[tilespmem:s23], [sflag:$0x1] =	stream.indirect.gather [hbm4b:s1+s22], $0x80, s4, s22, $0xb8;
	[tilespmem:$0x1A900] =	vst v63  }
0x59: {  	_ =	swait.ge [sflag:s24], $0x2800  }
0x5a: {  	[sflag:s24] =	ssyncset.done $0x0  }
0x5b: {  	[sflag:s24] =	ssyncadd.s32 $0xFFFFD800  }
0x5c: {  	[spmem:s3] =	stream.indirect.scatter.add.f32 [tilespmem:s23], [sflag:$0x2], $0x80, s21, s22, $0xb8;
	[tilespmem:$0x1A900] =	vst v63  }
0x5d: {  	_ =	swait.ge [sflag:s20], $0x2800  }
0x5e: {  	[sflag:s20] =	ssyncset.done $0x0  }
0x5f: {  	[sflag:s20] =	ssyncadd.s32 $0xFFFFD800  }
0x60: {  	[bflag:$0x0] =	sbarrier.arrive $0xFFFF  }
0x61: {  	[tilespmem:s19], [sflag:$0x2] =	stream.linear.gather [spmem:s6], $0x4000, $0x38;
	[tilespmem:$0x1A900] =	vst v63  }
0x62: {  	_ =	swait.ge [sflag:s20], $0x4000  }
0x63: {  	[sflag:s20] =	ssyncset.done $0x0  }
0x64: {  	[sflag:s20] =	ssyncadd.s32 $0xFFFFC000  }
0x65: {  	[hbm4b:s11+s4] =	stream.linear.scatter [tilespmem:s19], [sflag:$0x2], $0x4000, $0x38;
	[tilespmem:$0x1A900] =	vst v63  }
0x66: {  	_ =	swait.ge [sflag:s20], $0x4000  }
0x67: {  	[sflag:s20] =	ssyncset.done $0x0  }
0x68: {  	[sflag:s20] =	ssyncadd.s32 $0xFFFFC000  }
0x69: {  	[tilespmem:s19], [sflag:$0x2] =	stream.linear.gather [spmem:s7], $0x4000, $0x38;
	[tilespmem:$0x1A900] =	vst v63  }
0x6a: {  	_ =	swait.ge [sflag:s20], $0x4000  }
0x6b: {  	[sflag:s20] =	ssyncset.done $0x0  }
0x6c: {  	[sflag:s20] =	ssyncadd.s32 $0xFFFFC000  }
0x6d: {  	[hbm4b:s12+s4] =	stream.linear.scatter [tilespmem:s19], [sflag:$0x2], $0x4000, $0x38;
	[tilespmem:$0x1A900] =	vst v63  }
0x6e: {  	_ =	swait.ge [sflag:s20], $0x4000  }
0x6f: {  	[sflag:s20] =	ssyncset.done $0x0  }
0x70: {  	[sflag:s20] =	ssyncadd.s32 $0xFFFFC000  }
0x71: {  	[tilespmem:s19], [sflag:$0x2] =	stream.linear.gather [spmem:s8], $0x4000, $0x38;
	[tilespmem:$0x1A900] =	vst v63  }
0x72: {  	_ =	swait.ge [sflag:s20], $0x4000  }
0x73: {  	[sflag:s20] =	ssyncset.done $0x0  }
0x74: {  	[sflag:s20] =	ssyncadd.s32 $0xFFFFC000  }
0x75: {  	[hbm4b:s13+s4] =	stream.linear.scatter [tilespmem:s19], [sflag:$0x2], $0x4000, $0x38;
	[tilespmem:$0x1A900] =	vst v63  }
0x76: {  	_ =	swait.ge [sflag:s20], $0x4000  }
0x77: {  	[sflag:s20] =	ssyncset.done $0x0  }
0x78: {  	[sflag:s20] =	ssyncadd.s32 $0xFFFFC000  }
0x79: {  	[tilespmem:s19], [sflag:$0x2] =	stream.linear.gather [spmem:s9], $0x4000, $0x38;
	[tilespmem:$0x1A900] =	vst v63  }
0x7a: {  	_ =	swait.ge [sflag:s20], $0x4000  }
0x7b: {  	[sflag:s20] =	ssyncset.done $0x0  }
0x7c: {  	[sflag:s20] =	ssyncadd.s32 $0xFFFFC000  }
0x7d: {  	[hbm4b:s14+s4] =	stream.linear.scatter [tilespmem:s19], [sflag:$0x2], $0x4000, $0x38;
	[tilespmem:$0x1A900] =	vst v63  }
0x7e: {  	_ =	swait.ge [sflag:s20], $0x4000  }
0x7f: {  	[sflag:s20] =	ssyncset.done $0x0  }
0x80: {  	[sflag:s20] =	ssyncadd.s32 $0xFFFFC000  }
0x81: {  	[tilespmem:s19], [sflag:$0x2] =	stream.linear.gather [spmem:s10], $0x4000, $0x38;
	[tilespmem:$0x1A900] =	vst v63  }
0x82: {  	s25 =	sadd.s32 $0x1, s25;
	_ =	swait.ge [sflag:s20], $0x4000  }
0x83: {  	p0 =	sne.s32 s25, s16;
	[sflag:s20] =	ssyncset.done $0x0  }
.Ltmp1:
0x84: {  	[sflag:s20] =	ssyncadd.s32 $0xFFFFC000;
	(pc) =	sbr.rel @p0 .LBB2_1-.Ltmp1, $4  }
0x85: {  	[hbm4b:s15+s4] =	stream.linear.scatter [tilespmem:s19], [sflag:$0x2], $0x4000, $0x38;
	[tilespmem:$0x1A900] =	vst v63  }
0x86: {  	_ =	swait.ge [sflag:s20], $0x4000  }
0x87: {  	[sflag:s20] =	ssyncset.done $0x0  }
0x88: {  	[sflag:s20] =	ssyncadd.s32 $0xFFFFC000  }
0x89: {  	_ =	sfence.sel $0x180000  }
0x8a: {  	[bflag:$0x0] =	sbarrier.arrive $0xFFFF  }
0x8b: {  	p0 =	sne.s32 s0, $0x0;
	_ =	strace $0x9000004D  }
0x8c: {  	s0 =	sadd.s32 @!p0 $0x100000, s2;
	[bflag:$0x2] =	sbarrier.arrive $0xFFFF  }
0x8d: {  	[sflag:s0] =	ssyncadd.tile.s32 @!p0 $0x1;
	_ =	shalt  }
.Lfunc_end2:
_tile_overlayer_lowered:
.L_overlay_start_2:
0x8e: {  	(tag) =	ssettag $0x2  }
0x8f: {  	s0 =	rddreg [dreg:$0x0];
	s2 =	stileid.u32  }
0x90: {  	s1 =	rddreg [dreg:$0x1];
	p0 =	sne.s32 s2, $0x0  }
0x91: {  	s3 =	rddreg [dreg:$0x2];
	[bflag:$0x3] =	sbarrier.arrive $0xFFFF;
	s2 =	simm.s32 @!p0 $0x1C02  }
0x92: {  	[timem:s3], [sflag:s2] =	dma.local @!p0 [hbm:s0], s1  }
0x93: {  	s0 =	simm.s32 @!p0 $0x2  }
0x94: {  	_ =	swait.ge @!p0 [sflag:s0], s1  }
0x95: {  	s1 =	ssub.s32 @!p0 $0x0, s1;
	[sflag:s0] =	ssyncset.done @!p0 $0x0  }
0x96: {  	[sflag:s0] =	ssyncadd.s32 @!p0 s1  }
0x97: {  	[bflag:$0x3] =	sbarrier.arrive $0xFFFF  }
0x98: {  	_ =	shalt  }

// kernel: kernel.8.cloned.1.call-start
scs
__scs_entry_jumppad:
0x0: {  	(pc) =	sbr.rel $0x88, $3  }
0x1: {  	(tag) =	ssettag $0x0;
	lr =	simm.s32 $0x1  }
0x2: {  	[smem:$0x3F99] =	sst lr;
	_ =	strace $0xD0000000  }
0x3: {  	_ = 	snop  }
0x4: {  	_ = 	snop  }
0x5: {  	_ = 	snop  }
0x6: {  	_ = 	snop  }
0x7: {  	_ = 	snop  }
__scs_overlays_trampoline_lowered:
0x8: {  	[smem:$0x3FA8] =	sst s0  }
0x9: {  	[smem:$0x3FA9] =	sst s1  }
0xa: {  	[smem:$0x3FAA] =	sst s2  }
0xb: {  	[smem:$0x3FAB] =	sst s3  }
0xc: {  	[smem:$0x3FAC] =	sst s4  }
0xd: {  	[smem:$0x3FAD] =	sst s5  }
0xe: {  	[smem:$0x3FAE] =	sst s6  }
0xf: {  	[smem:$0x3FAF] =	sst s7  }
0x10: {  	[smem:$0x3FB0] =	sst s8  }
0x11: {  	[smem:$0x3FB1] =	sst s9;
	s0 =	simm.s32 @!p0 $0x0  }
0x12: {  	s1 =	sld [smem:$0x3F97];
	s0 =	simm.s32 @p0 $0x1  }
0x13: {  	[smem:$0x3FB2] =	sst s0;
	s0 =	simm.s32 @!p1 $0x0  }
0x14: {  	s2 =	sld [smem:$0x3F96];
	s0 =	simm.s32 @p1 $0x1  }
0x15: {  	[smem:$0x3FB3] =	sst s0;
	s0 =	simm.s32 @!p2 $0x0  }
0x16: {  	s3 =	sld [smem:$0x3FDB];
	s0 =	simm.s32 @p2 $0x1  }
0x17: {  	s4 =	simm.s32 $0x1BF5;
	[smem:$0x3FB5] =	sst s0  }
0x18: {  	s0 =	sld [smem:$0x3F98];
	_ =	swait.ge [sflag:s4], $0x0  }
0x19: {  	s7 =	sld [smem:$0x3F99]  }
0x1a: {  	s8 =	sadd.s32 $0xFFFFE003, lr  }
0x1b: {  	s9 =	sadd.s32 $0xFFFFFEF7, lr;
	s5 =	simm.s32 $0xFFFFFFFF;
	p2 =	slt.u32 s8, $0xFFFFF086  }
0x1c: {  	p1 =	slt.u32 s9, $0xF7A;
	s5 =	simm.s32 @!p2 $0x0  }
0x1d: {  	s5 =	simm.s32 @p1 $0x1;
	p0 =	seq.s32 s7, s2  }
0x1e: {  	s7 =	smul.u32 @!p0 $0xF7A, s2;
	p2 =	seq.s32 @!p0 s5, $0x0  }
0x1f: {  	s9 =	smul.u32 $0xF7A, s1;
	s8 =	simm.s32 @!p0 $0x1BF5;
	p2 =	por !p2, p0  }
0x20: {  	[sflag:s8] =	ssyncset.s32 @!p0 $0xFFFFF086;
	s6 =	sadd.s32 @!p0 s3, s7;
	s7 =	simm.s32 @!p0 $0x108  }
0x21: {  	s3 =	sadd.s32 s3, s9;
	s6 =	sadd.s32 @!p0 $0x88, s6;
	s7 =	simm.s32 @p2 $0x1082  }
0x22: {  	[simem:s7], [sflag:s8] =	dma.local @!p0 [hbm:s6], $0xF7A  }
0x23: {  	s9 =	sor.u32 $0xD0000000, s2;
	s6 =	simm.s32 $0x108;
	_ =	swait.ge @!p0 [sflag:s8], $0x0  }
0x24: {  	s3 =	sadd.s32 $0x88, s3;
	s6 =	simm.s32 @!p1 $0x1082;
	[sflag:s4] =	ssyncset.s32 $0xFFFFF086  }
0x25: {  	[simem:s6], [sflag:s4] =	dma.local [hbm:s3], $0xF7A  }
0x26: {  	[smem:$0x3F99] =	sst s1;
	(tag) =	ssettag s2;
	_ =	strace s9  }
0x27: {  	s1 =	sld [smem:$0x3FA9]  }
0x28: {  	s2 =	sld [smem:$0x3FAA]  }
0x29: {  	s4 =	sld [smem:$0x3FAC]  }
0x2a: {  	p0 =	seq.s32 s5, $0x0;
	s5 =	sld [smem:$0x3FAD]  }
0x2b: {  	s6 =	sld [smem:$0x3FAE]  }
0x2c: {  	s7 =	sld [smem:$0x3FAF]  }
0x2d: {  	s3 =	simm.s32 $0x108;
	s8 =	sld [smem:$0x3FB0]  }
0x2e: {  	s3 =	simm.s32 @!p0 $0x1082;
	s9 =	sld [smem:$0x3FB1]  }
0x2f: {  	lr =	sadd.s32 s0, s3;
	s0 =	sld [smem:$0x3FA8]  }
0x30: {  	s3 =	sld [smem:$0x3FAB]  }
0x31: {  	[smem:$0x3FB4] =	sst s10  }
0x32: {  	s10 =	sld [smem:$0x3FB2];
	_ =	sdelay $0x3  }
0x33: {  	p0 =	seq.s32 s10, $0x1;
	s10 =	sld [smem:$0x3FB4];
	_ =	sdelay $0x3  }
0x34: {  	[smem:$0x3FB4] =	sst s10  }
0x35: {  	s10 =	sld [smem:$0x3FB3];
	_ =	sdelay $0x3  }
0x36: {  	p1 =	seq.s32 s10, $0x1;
	s10 =	sld [smem:$0x3FB4];
	_ =	sdelay $0x3  }
0x37: {  	[smem:$0x3FB4] =	sst s10  }
0x38: {  	s10 =	sld [smem:$0x3FB5]  }
0x39: {  	_ = 	snop;
	(pc) =	sbr.ind lr, $3  }
0x3a: {  	_ = 	snop  }
0x3b: {  	_ = 	snop  }
0x3c: {  	p2 =	seq.s32 s10, $0x1;
	s10 =	sld [smem:$0x3FB4]  }
0x3d: {  	_ =	shalt  }
0x3e: {  	_ =	shalt  }
0x3f: {  	_ =	shalt  }
0x40: {  	_ =	shalt  }
0x41: {  	_ =	shalt  }
0x42: {  	_ =	shalt  }
0x43: {  	_ =	shalt  }
0x44: {  	_ =	shalt  }
0x45: {  	_ =	shalt  }
0x46: {  	_ =	shalt  }
0x47: {  	_ =	shalt  }
0x48: {  	_ =	shalt  }
0x49: {  	_ =	shalt  }
0x4a: {  	_ =	shalt  }
0x4b: {  	_ =	shalt  }
0x4c: {  	_ =	shalt  }
0x4d: {  	_ =	shalt  }
0x4e: {  	_ =	shalt  }
0x4f: {  	_ =	shalt  }
0x50: {  	_ =	shalt  }
0x51: {  	_ =	shalt  }
0x52: {  	_ =	shalt  }
0x53: {  	_ =	shalt  }
0x54: {  	_ =	shalt  }
0x55: {  	_ =	shalt  }
0x56: {  	_ =	shalt  }
0x57: {  	_ =	shalt  }
0x58: {  	_ =	shalt  }
0x59: {  	_ =	shalt  }
0x5a: {  	_ =	shalt  }
0x5b: {  	_ =	shalt  }
0x5c: {  	_ =	shalt  }
0x5d: {  	_ =	shalt  }
0x5e: {  	_ =	shalt  }
0x5f: {  	_ =	shalt  }
0x60: {  	_ =	shalt  }
0x61: {  	_ =	shalt  }
0x62: {  	_ =	shalt  }
0x63: {  	_ =	shalt  }
0x64: {  	_ =	shalt  }
0x65: {  	_ =	shalt  }
0x66: {  	_ =	shalt  }
0x67: {  	_ =	shalt  }
0x68: {  	_ =	shalt  }
0x69: {  	_ =	shalt  }
0x6a: {  	_ =	shalt  }
0x6b: {  	_ =	shalt  }
0x6c: {  	_ =	shalt  }
0x6d: {  	_ =	shalt  }
0x6e: {  	_ =	shalt  }
0x6f: {  	_ =	shalt  }
0x70: {  	_ =	shalt  }
0x71: {  	_ =	shalt  }
0x72: {  	_ =	shalt  }
0x73: {  	_ =	shalt  }
0x74: {  	_ =	shalt  }
0x75: {  	_ =	shalt  }
0x76: {  	_ =	shalt  }
0x77: {  	_ =	shalt  }
0x78: {  	_ =	shalt  }
0x79: {  	_ =	shalt  }
0x7a: {  	_ =	shalt  }
0x7b: {  	_ =	shalt  }
0x7c: {  	_ =	shalt  }
0x7d: {  	_ =	shalt  }
0x7e: {  	_ =	shalt  }
0x7f: {  	_ =	shalt  }
0x80: {  	_ =	shalt  }
0x81: {  	_ =	shalt  }
0x82: {  	_ =	shalt  }
0x83: {  	_ =	shalt  }
0x84: {  	_ =	shalt  }
0x85: {  	_ =	shalt  }
0x86: {  	_ =	shalt  }
0x87: {  	_ =	shalt  }
.Lfunc_end0:
.L_simem_size_0:
called_computation_lowered:
.L_overlay_start_0:
0x88: {  	s2 =	sld [smem:$0x3FD9]  }
0x89: {  	s3 =	sld [smem:$0x3FFE];
	_ =	sdelay $0x1  }
0x8a: {  	s1 =	srdreg.scid  }
0x8b: {  	s0 =	sand.u32 $0x1, s1  }
0x8c: {  	s14 =	sshll.u32 s0, $0xA;
	s2 =	sadd.s32 s3, s2  }
0x8d: {  	s2 =	sadd.s32 s2, s14  }
0x8e: {  	[smem:$0x3FC0] =	sst s2  }
0x8f: {  	_ = 	snop  }
0x90: {  	s2 =	sld [smem:$0x3FD0];
	_ =	sdelay $0x2  }
0x91: {  	s15 =	simm.s32 $0xA;
	s4 =	simm.s32 $0x10  }
0x92: {  	[smem:s4], [sflag:s15] =	dma.local [hbm:s2], $0x1  }
0x93: {  	_ =	swait.eq [sflag:s15], $0x1  }
0x94: {  	[sflag:s15] =	ssyncset.done $0x0  }
0x95: {  	[sflag:s15] =	ssyncadd.s32 $0xFFFFFFFF  }
0x96: {  	s16 =	sld [smem:$0x10];
	(tm) =	ssettm $0x1  }
0x97: {  	s17 =	sld [smem:$0x3FFB];
	_ =	sdelay $0x3  }
0x98: {  	_ =	strace s17  }
0x99: {  	s3 =	sld [smem:$0x3FFC];
	_ =	sdelay $0x3  }
0x9a: {  	_ =	strace s3  }
0x9b: {  	s3 =	sld [smem:$0x3FFD];
	_ =	sdelay $0x3  }
0x9c: {  	_ =	strace s3  }
0x9d: {  	_ =	strace $0x8FFFFFFF  }
0x9e: {  	s18 =	sld [smem:$0x3FDB];
	_ =	sdelay $0x1  }
0x9f: {  	s19 =	simm.s32 $_scs_section_size  }
0xa0: {  	s5 =	simm.s32 $_size__tile_overlayer_lowered;
	s6 =	simm.s32 $_tile_overlayer_lowered  }
0xa1: {  	s22 =	simm.s32 $0x1BFF;
	s21 =	sshll.u32 s6, $0x1;
	s3 =	sadd.s32 s19, s18  }
0xa2: {  	s7 =	simm.s32 $0x0;
	s20 =	sshll.u32 s5, $0x1;
	s5 =	sadd.s32 s21, s3  }
0xa3: {  	[timem:s7], [sflag:s22] =	dma.local [hbm:s5], s20  }
0xa4: {  	_ =	swait.ge [sflag:s22], s20  }
0xa5: {  	s4 =	ssub.s32 $0x0, s20;
	[sflag:s22] =	ssyncset.done $0x0  }
0xa6: {  	[sflag:s22] =	ssyncadd.s32 s4;
	_ =	sdelay $0x1  }
0xa7: {  	s23 =	simm.s32 $0x1B8B  }
0xa8: {  	_ =	swait.ge [sflag:s23], $0x1  }
0xa9: {  	[sflag:s23] =	ssyncset.done $0x0  }
0xaa: {  	s25 =	simm.s32 $0x1B8E;
	s24 =	sld [smem:$0x3FFE];
	[sflag:s23] =	ssyncadd.s32 $0xFFFFFFFF  }
0xab: {  	s26 =	simm.s32 $execute0_lowered;
	[smem:$0x3FD2] =	sst s25  }
0xac: {  	s5 =	sshll.u32 s26, $0x1;
	_ =	strace $0x80000046;
	[dreg:$0x1] =	wrdreg $0xFFFFFFFF  }
0xad: {  	s28 =	simm.s32 $_size_execute0_lowered;
	s3 =	sadd.s32 s3, s5;
	[dreg:$0x0] =	wrdreg $0x0  }
0xae: {  	s5 =	sshll.u32 s28, $0x1;
	[dreg:$0x2] =	wrdreg s3  }
0xaf: {  	[dreg:$0x3] =	wrdreg s5  }
0xb0: {  	[dreg:$0x4] =	wrdreg $0xC0  }
0xb1: {  	_ =	task [dreg:s7], $0x5FFFF  }
0xb2: {  	[dreg:$0x1] =	wrdreg $0xFFFFFFFF  }
0xb3: {  	[dreg:$0x0] =	wrdreg $0x60  }
0xb4: {  	[dreg:$0x2] =	wrdreg s24  }
0xb5: {  	[dreg:$0x3] =	wrdreg s16  }
0xb6: {  	[dreg:$0x4] =	wrdreg $0x3800  }
0xb7: {  	[dreg:$0x5] =	wrdreg $0x9  }
0xb8: {  	_ =	task.clear_ibuf [dreg:s7], $0x6FFFF;
	_ =	strace $0x90000046  }
0xb9: {  	s29 =	simm.s32 $0x9;
	_ =	strace $0x80000048  }
0xba: {  	_ =	swait.ge [sflag:s29], $0x1  }
0xbb: {  	[sflag:s29] =	ssyncadd.s32 $0xFFFFFFFF  }
0xbc: {  	_ =	strace $0x90000048  }
0xbd: {  	_ =	sfence  }
0xbe: {  	s30 =	sld [smem:$0x0];
	_ =	sdelay $0x2  }
0xbf: {  	s31 =	sshll.u32 s1, $0xD;
	s1 =	sshrl.u32 s1, $0x2  }
0xc0: {  	s3 =	sand.u32 $0x4000, s31;
	s1 =	sadd.s32 s1, s30  }
0xc1: {  	s0 =	sor.u32 s3, s0;
	s1 =	sshll.u32 s1, $0x11  }
0xc2: {  	s0 =	sor.u32 s1, s0  }
0xc3: {  	s0 =	sadd.s32 $0x8F2B, s0  }
0xc4: {  	[sflag:s0] =	ssyncadd.remote.s32 $0x1  }
0xc5: {  	_ =	sfence.sel $0xFFFF  }
0xc6: {  	[dreg:$0x0] =	wrdreg $0xFFFFFFFF;
	(pc) =	sbr.abs _section_cstart, $3  }
0xc7: {  	[dreg:$0x1] =	wrdreg $0xFFFFFFFF  }
0xc8: {  	_ =	task.clear_ibuf [dreg:s7], $0x2FFFF;
	_ =	strace $0x9FFFFFFF  }
0xc9: {  	(tm) =	ssettm $0x7FFFFFFF  }
tec
execute0_lowered:
.L_overlay_start_1:
0x0: {  	(tag) =	ssettag $0x1  }
0x1: {  	s1 =	srdreg.scid;
	s4 =	rddreg [dreg:$0x0]  }
0x2: {  	s0 =	stileid.u32;
	s7 =	rddreg [dreg:$0x1]  }
0x3: {  	s2 =	rddreg [dreg:$0x2];
	s3 =	simm.s32 $0x0;
	s6 =	smul.u32 $0x4E20, s0  }
0x4: {  	s12 =	simm.s32 $0x80;
	s13 =	simm.s32 $0x0;
	s29 =	smul.u32 $0x500, s0  }
0x5: {  	s5 =	sand.u32 $0x1, s1;
	s1 =	rddreg [dreg:$0x3];
	s10 =	smul.u32 $0xA00, s0  }
0x6: {  	[smem:$0x7FF] =	sst s3;
	s8 =	smul.u32 $0x2710, s5;
	s9 =	ssub.s32 $0x2, s5  }
0x7: {  	_ =	strace $0x80000047;
	s5 =	sshll.u32 s5, $0x7;
	s11 =	sshrl.u32 s9, $0x1  }
0x8: {  	s5 =	sor.u32 s5, s29;
	s30 =	sshrl.u32 s10, $0x2;
	s10 =	simm.s32 $0x1  }
0x9: {  	s6 =	sadd.s32 s8, s6;
	s9 =	ssub.s32 s9, s11;
	s31 =	sshrl.u32 s5, $0x3  }
0xa: {  	s5 =	sadd.s32 s30, s2;
	s11 =	simm.s32 $0x50;
	s6 =	sshrl.u32 s6, $0x3  }
0xb: {  	s28 =	sadd.s32 s6, s4;
	s4 =	sadd.s32 $0xD600, s4;
	s6 =	sadd.s32 s7, s31  }
0xc: {  	v0 =	vimm.f32 $1.000000000e+00;
	s7 =	smax.u32 s9, $0x1;
	s9 =	simm.s32 $0x100;
	s8 =	sadd.s32 $0x3800, s28  }
.LBB2_1:
0xd: {  	[tilespmem:$0x80] =	vst v0  }
0xe: {  	[tilespmem:$0x90] =	vst v0  }
0xf: {  	[tilespmem:$0xA0] =	vst v0  }
0x10: {  	[tilespmem:$0xB0] =	vst v0  }
0x11: {  	[tilespmem:$0xC0] =	vst v0  }
0x12: {  	[tilespmem:s9], [sflag:$0x1] =	stream.linear.gather [hbm4b:s4+s3], $0x280, $0x38;
	[tilespmem:$0x600] =	vst v63  }
0x13: {  	_ =	swait.ge [sflag:s10], $0x280  }
0x14: {  	[sflag:s10] =	ssyncset.done $0x0  }
0x15: {  	[sflag:s10] =	ssyncadd.s32 $0xFFFFFD80  }
0x16: {  	[spmem:s5] =	stream.linear.scatter [tilespmem:s9], [sflag:$0x1], $0x280, $0x38;
	[tilespmem:$0x600] =	vst v63  }
0x17: {  	_ =	swait.ge [sflag:s10], $0x280  }
0x18: {  	[sflag:s10] =	ssyncset.done $0x0  }
0x19: {  	[sflag:s10] =	ssyncadd.s32 $0xFFFFFD80  }
0x1a: {  	s14 =	sadd.s32 $0x0, s8;
	[bflag:$0x0] =	sbarrier.arrive $0xFFFF  }
0x1b: {  	[tilespmem:s3], [sflag:$0x1] =	stream.linear.gather [hbm4b:s14+s3], $0x50, $0x38;
	[tilespmem:$0x600] =	vst v63  }
0x1c: {  	_ =	swait.ge [sflag:s10], $0x50  }
0x1d: {  	[sflag:s10] =	ssyncset.done $0x0  }
0x1e: {  	[sflag:s10] =	ssyncadd.s32 $0xFFFFFFB0  }
0x1f: {  	[spmem:s2] =	stream.indirect.scatter.add.f32 [tilespmem:s12], [sflag:$0x1], $0x1, s3, s11, $0xb8;
	[tilespmem:$0x600] =	vst v63  }
0x20: {  	_ =	swait.ge [sflag:s10], $0x50  }
0x21: {  	s15 =	simm.s32 $0x14;
	s14 =	simm.s32 $0xA;
	[sflag:s10] =	ssyncset.done $0x0  }
.LBB2_2:
0x22: {  	s16 =	sadd.s32 s14, s8  }
0x23: {  	[sflag:s10] =	ssyncadd.s32 $0xFFFFFFB0;
	s14 =	smov.u32 s15;
	s17 =	sadd.s32 $0xA, s15  }
0x24: {  	[tilespmem:s3], [sflag:$0x1] =	stream.linear.gather [hbm4b:s16+s3], $0x50, $0x38;
	[tilespmem:$0x600] =	vst v63  }
0x25: {  	p0 =	sne.s32 s15, $0x4D8;
	_ =	swait.ge [sflag:s10], $0x50  }
.Ltmp0:
0x26: {  	[sflag:s10] =	ssyncset.done $0x0;
	(pc) =	sbr.rel @p0 .LBB2_2-.Ltmp0, $4  }
0x27: {  	[sflag:s10] =	ssyncadd.s32 $0xFFFFFFB0  }
0x28: {  	[spmem:s2] =	stream.indirect.scatter.add.f32 [tilespmem:s12], [sflag:$0x1], $0x1, s3, s11, $0xb8;
	[tilespmem:$0x600] =	vst v63  }
0x29: {  	_ =	swait.ge [sflag:s10], $0x50  }
0x2a: {  	s15 =	smov.u32 s17;
	[sflag:s10] =	ssyncset.done $0x0  }
0x2b: {  	s14 =	sadd.s32 s14, s8;
	[sflag:s10] =	ssyncadd.s32 $0xFFFFFFB0  }
0x2c: {  	[tilespmem:s3], [sflag:$0x1] =	stream.linear.gather [hbm4b:s14+s3], $0x50, $0x38;
	[tilespmem:$0x600] =	vst v63  }
0x2d: {  	_ =	swait.ge [sflag:s10], $0x50  }
0x2e: {  	[sflag:s10] =	ssyncset.done $0x0  }
0x2f: {  	[sflag:s10] =	ssyncadd.s32 $0xFFFFFFB0  }
0x30: {  	[spmem:s2] =	stream.indirect.scatter.add.f32 [tilespmem:s12], [sflag:$0x1], $0x1, s3, s11, $0xb8;
	[tilespmem:$0x600] =	vst v63  }
0x31: {  	_ =	swait.ge [sflag:s10], $0x50  }
0x32: {  	[sflag:s10] =	ssyncset.done $0x0  }
0x33: {  	[sflag:s10] =	ssyncadd.s32 $0xFFFFFFB0  }
0x34: {  	[bflag:$0x0] =	sbarrier.arrive $0xFFFF  }
0x35: {  	[tilespmem:s9], [sflag:$0x1] =	stream.linear.gather [spmem:s5], $0x280, $0x38;
	[tilespmem:$0x600] =	vst v63  }
0x36: {  	s13 =	sadd.s32 $0x1, s13;
	_ =	swait.ge [sflag:s10], $0x280  }
0x37: {  	p0 =	sne.s32 s13, s7;
	[sflag:s10] =	ssyncset.done $0x0  }
.Ltmp1:
0x38: {  	[sflag:s10] =	ssyncadd.s32 $0xFFFFFD80;
	(pc) =	sbr.rel @p0 .LBB2_1-.Ltmp1, $4  }
0x39: {  	[hbm4b:s6+s12] =	stream.strided.scatter [tilespmem:s9], [sflag:$0x1], $0x280, s9, s12, $0x38;
	[tilespmem:$0x600] =	vst v63  }
0x3a: {  	_ =	swait.ge [sflag:s10], $0x280  }
0x3b: {  	[sflag:s10] =	ssyncset.done $0x0  }
0x3c: {  	[sflag:s10] =	ssyncadd.s32 $0xFFFFFD80  }
0x3d: {  	_ =	sfence.sel $0x180000  }
0x3e: {  	[bflag:$0x0] =	sbarrier.arrive $0xFFFF  }
0x3f: {  	p0 =	sne.s32 s0, $0x0;
	_ =	strace $0x90000047  }
0x40: {  	s0 =	sadd.s32 @!p0 $0x100000, s1;
	[bflag:$0x2] =	sbarrier.arrive $0xFFFF  }
0x41: {  	[sflag:s0] =	ssyncadd.tile.s32 @!p0 $0x1;
	_ =	shalt  }
.Lfunc_end2:
_tile_overlayer_lowered:
.L_overlay_start_2:
0x42: {  	(tag) =	ssettag $0x2  }
0x43: {  	s0 =	rddreg [dreg:$0x0];
	s2 =	stileid.u32  }
0x44: {  	s1 =	rddreg [dreg:$0x1];
	p0 =	sne.s32 s2, $0x0  }
0x45: {  	s3 =	rddreg [dreg:$0x2];
	[bflag:$0x3] =	sbarrier.arrive $0xFFFF;
	s2 =	simm.s32 @!p0 $0x1C01  }
0x46: {  	[timem:s3], [sflag:s2] =	dma.local @!p0 [hbm:s0], s1  }
0x47: {  	s0 =	simm.s32 @!p0 $0x1  }
0x48: {  	_ =	swait.ge @!p0 [sflag:s0], s1  }
0x49: {  	s1 =	ssub.s32 @!p0 $0x0, s1;
	[sflag:s0] =	ssyncset.done @!p0 $0x0  }
0x4a: {  	[sflag:s0] =	ssyncadd.s32 @!p0 s1  }
0x4b: {  	[bflag:$0x3] =	sbarrier.arrive $0xFFFF  }
0x4c: {  	_ =	shalt  }

</sc_bundles>
